<compile_context>
chip_gen: v7x
topology: tpu7x:2x2x1
jax: 0.10.2.dev20260603
libtpu: 0.0.44.dev20260713+nightly
codegen_flags: <defaults>
</compile_context>

<pallas_src>
import jax
import jax.numpy as jnp
from jax import lax
from jax.experimental import pallas as pl
from jax.experimental.pallas import tpu as pltpu
import jax.experimental.pallas.tpu_sc as plsc

N = 10000
E = 320000
D = 128
A = 1000
AP = 1024
NCHUNK = AP // 128
NSC = 2
NTILE = 16
EB = 80
NPAD = 10240
RPT = NPAD // NTILE
RPT_LAST = N - (NTILE - 1) * RPT

_f32 = jnp.float32


def _make_sc_segsum(width, n_chunks, chunks_per_sc, split_edges):
    mesh = plsc.VectorSubcoreMesh(core_axis_name="c", subcore_axis_name="s")
    n_out = NSC if split_edges else n_chunks
    edges_per_tile = E // (NSC * NTILE) if split_edges else E // NTILE
    n_blocks = edges_per_tile // EB

    def body(table_hbm, src_hbm, dst_hbm, zeros_hbm, zerosd_hbm, *rest):
        if split_edges:
            (out_hbm, deg_hbm, sidx_v, didx_v, rows_v, hist_v, acc_sh,
             sem) = rest
        else:
            out_hbm, sidx_v, didx_v, rows_v, acc_sh, sem = rest
        core = lax.axis_index("c")
        sub = lax.axis_index("s")
        if split_edges:
            pltpu.sync_copy(zerosd_hbm, hist_v)
        ones16 = jnp.full((16,), 1.0, _f32)

        for j in range(chunks_per_sc):
            if split_edges:
                chunk = 0
                ebase = core * (E // NSC) + sub * edges_per_tile
                out_slot = core
            else:
                chunk = core * chunks_per_sc + j
                ebase = sub * edges_per_tile
                out_slot = chunk

            pltpu.sync_copy(zeros_hbm, acc_sh.at[pl.ds(sub * RPT, RPT)])
            plsc.subcore_barrier()

            def blk(b, _):
                eb = ebase + b * EB
                pltpu.sync_copy(src_hbm.at[pl.ds(eb, EB)], sidx_v)
                pltpu.sync_copy(dst_hbm.at[pl.ds(eb, EB)], didx_v)
                pltpu.async_copy(table_hbm.at[chunk].at[sidx_v], rows_v,
                                 sem).wait()
                pltpu.sync_copy(rows_v, acc_sh.at[didx_v], add=True)
                if split_edges:
                    for t in range(EB // 16):
                        plsc.addupdate_scatter(
                            hist_v, [didx_v[pl.ds(t * 16, 16)]], ones16)
                return 0

            lax.fori_loop(0, n_blocks, blk, 0)
            plsc.subcore_barrier()

            @pl.when(sub < NTILE - 1)
            def _():
                pltpu.sync_copy(
                    acc_sh.at[pl.ds(sub * RPT, RPT)],
                    out_hbm.at[out_slot].at[pl.ds(sub * RPT, RPT)])

            @pl.when(sub == NTILE - 1)
            def _():
                pltpu.sync_copy(
                    acc_sh.at[pl.ds((NTILE - 1) * RPT, RPT_LAST)],
                    out_hbm.at[out_slot].at[pl.ds((NTILE - 1) * RPT,
                                                  RPT_LAST)])

        if split_edges:
            wid = core * NTILE + sub
            pltpu.sync_copy(hist_v, deg_hbm.at[wid])

    out_type = [jax.ShapeDtypeStruct((n_out, N, width), _f32)]
    scratch = [
        pltpu.VMEM((EB,), jnp.int32),
        pltpu.VMEM((EB,), jnp.int32),
        pltpu.VMEM((EB, width), _f32),
    ]
    if split_edges:
        out_type.append(jax.ShapeDtypeStruct((NSC * NTILE, NPAD), _f32))
        scratch.append(pltpu.VMEM((NPAD,), _f32))
    scratch += [pltpu.VMEM_SHARED((NPAD, width), _f32),
                pltpu.SemaphoreType.DMA]
    return pl.kernel(
        body, out_type=out_type, mesh=mesh, scratch_types=scratch,
        compiler_params=pltpu.CompilerParams(needs_layout_passes=False))


_segsum_h = _make_sc_segsum(D, 1, 1, True)
_segsum_assign = _make_sc_segsum(128, NCHUNK, NCHUNK // NSC, False)

RB = 1000


def _tc_bundle_body(h_ref, m0_ref, m1_ref, degp_ref, wf_ref, bf_ref, wp_ref,
                    bp_ref, feat_ref, achk_ref):
    m = m0_ref[...] + m1_ref[...]
    deg = jnp.maximum(jnp.sum(degp_ref[...], axis=1), 1.0)[:, None]
    c = m / deg
    hb = h_ref[...]
    fb = (jnp.dot(hb, wf_ref[:D, :], preferred_element_type=_f32)
          + jnp.dot(c, wf_ref[D:, :], preferred_element_type=_f32)
          + bf_ref[...])
    nrm = jnp.sqrt(jnp.sum(fb * fb, axis=1, keepdims=True))
    fb = fb / jnp.maximum(nrm, 1e-12)
    feat_ref[...] = jnp.maximum(fb, 0.0)
    pb = (jnp.dot(hb, wp_ref[:D, :], preferred_element_type=_f32)
          + jnp.dot(c, wp_ref[D:, :], preferred_element_type=_f32)
          + bp_ref[...])
    nrm2 = jnp.sqrt(jnp.sum(pb * pb, axis=1, keepdims=True))
    pb = pb / jnp.maximum(nrm2, 1e-12)
    z = jnp.maximum(pb, 0.0)
    col = lax.broadcasted_iota(jnp.int32, (RB, AP), 1)
    ez = jnp.where(col < A, jnp.exp(z), 0.0)
    a = ez / jnp.sum(ez, axis=1, keepdims=True)
    for ch in range(NCHUNK):
        achk_ref[ch] = a[:, ch * 128:(ch + 1) * 128]


def _tc_bundle(h, m0, m1, degp, wf, bf, wp, bp):
    grid = (N // RB,)
    return pl.pallas_call(
        _tc_bundle_body,
        grid=grid,
        in_specs=[
            pl.BlockSpec((RB, D), lambda i: (i, 0)),
            pl.BlockSpec((RB, D), lambda i: (i, 0)),
            pl.BlockSpec((RB, D), lambda i: (i, 0)),
            pl.BlockSpec((RB, NSC * NTILE), lambda i: (i, 0)),
            pl.BlockSpec((2 * D, D), lambda i: (0, 0)),
            pl.BlockSpec((1, D), lambda i: (0, 0)),
            pl.BlockSpec((2 * D, AP), lambda i: (0, 0)),
            pl.BlockSpec((1, AP), lambda i: (0, 0)),
        ],
        out_specs=[
            pl.BlockSpec((RB, D), lambda i: (i, 0)),
            pl.BlockSpec((NCHUNK, RB, 128), lambda i: (0, i, 0)),
        ],
        out_shape=[
            jax.ShapeDtypeStruct((N, D), _f32),
            jax.ShapeDtypeStruct((NCHUNK, N, 128), _f32),
        ],
    )(h, m0, m1, degp, wf, bf, wp, bp)


def _tc_adj_body(a_ref, t_ref, adj_ref):
    k = pl.program_id(0)
    a_full = jnp.concatenate([a_ref[ci] for ci in range(NCHUNK)], axis=1)
    t_full = jnp.concatenate([t_ref[ci] for ci in range(NCHUNK)], axis=1)
    cdims = (((0,), (0,)), ((), ()))
    adj_blk = lax.dot_general(a_full, t_full, cdims,
                              preferred_element_type=_f32)

    @pl.when(k == 0)
    def _():
        adj_ref[...] = adj_blk

    @pl.when(k > 0)
    def _():
        adj_ref[...] += adj_blk


def _tc_adj(achk, adjchk):
    return pl.pallas_call(
        _tc_adj_body,
        grid=(N // RB,),
        in_specs=[
            pl.BlockSpec((NCHUNK, RB, 128), lambda k: (0, k, 0)),
            pl.BlockSpec((NCHUNK, RB, 128), lambda k: (0, k, 0)),
        ],
        out_specs=[pl.BlockSpec((AP, AP), lambda k: (0, 0))],
        out_shape=[jax.ShapeDtypeStruct((AP, AP), _f32)],
    )(achk, adjchk)


def _tc_hnew_body(a_ref, f_ref, hn_ref):
    k = pl.program_id(0)
    a_full = jnp.concatenate([a_ref[ci] for ci in range(NCHUNK)], axis=1)
    cdims = (((0,), (0,)), ((), ()))
    hn_blk = lax.dot_general(a_full, f_ref[...], cdims,
                             preferred_element_type=_f32)

    @pl.when(k == 0)
    def _():
        hn_ref[...] = hn_blk

    @pl.when(k > 0)
    def _():
        hn_ref[...] += hn_blk


def _tc_hnew(achk, feat):
    return pl.pallas_call(
        _tc_hnew_body,
        grid=(N // RB,),
        in_specs=[
            pl.BlockSpec((NCHUNK, RB, 128), lambda k: (0, k, 0)),
            pl.BlockSpec((RB, D), lambda k: (k, 0)),
        ],
        out_specs=[pl.BlockSpec((AP, D), lambda k: (0, 0))],
        out_shape=[jax.ShapeDtypeStruct((AP, D), _f32)],
    )(achk, feat)


def kernel(h, edge_index, W_feat, b_feat, W_pool, b_pool):
    src = edge_index[0]
    dst = edge_index[1]
    h1 = h.reshape(1, N, D)
    zeros2 = jnp.zeros((RPT, D), _f32)
    zerosd = jnp.zeros((NPAD,), _f32)
    wp_pad = jnp.pad(W_pool, ((0, 0), (0, AP - A)))
    bp_pad = jnp.pad(b_pool, (0, AP - A)).reshape(1, AP)
    bf2 = b_feat.reshape(1, D)

    msum2, degp = _segsum_h(h1, src, dst, zeros2, zerosd)
    feat, achk = _tc_bundle(h, msum2[0], msum2[1], degp[:, :N].T, W_feat, bf2,
                            wp_pad, bp_pad)
    hn, = _tc_hnew(achk, feat)
    adjchk, = _segsum_assign(achk, src, dst, zeros2, zerosd)
    adj_full, = _tc_adj(achk, adjchk)
    return (adj_full[:A, :A], hn[:A, :D])

# --- scband reference (transcript-rebuilt; emitter-appended) ---
"""Pipeline reference for scband-diff-pool-batched-graph-layer-39986145526428 (READ-ONLY COPY).

The authoritative reference and input builder live on the scoring server;
editing this copy changes nothing except your own understanding.
"""

import jax, jax.numpy as jnp
import numpy as np

N = 10000
E = 320000
D = 128
ASSIGN = 1000

def setup_inputs(seed: int = 0) -> dict:
    key = jax.random.key(seed)
    k1, k2, k3, k4, k5, k6 = jax.random.split(key, 6)
    h = jax.random.normal(k1, (N, D), dtype=jnp.float32)
    edge_index = jax.random.randint(k2, (2, E), 0, N, dtype=jnp.int32)
    # GraphSage feat_gc params: Linear(in_feats*2 -> output_feat_dim)
    W_feat = jax.random.normal(k3, (2 * D, D), dtype=jnp.float32) * 0.05
    b_feat = jnp.zeros((D,), dtype=jnp.float32)
    # GraphSage pool_gc params: Linear(in_feats*2 -> assign_dim)
    W_pool = jax.random.normal(k4, (2 * D, ASSIGN), dtype=jnp.float32) * 0.05
    b_pool = jnp.zeros((ASSIGN,), dtype=jnp.float32)
    return {"h": h, "edge_index": edge_index, "W_feat": W_feat, "b_feat": b_feat, "W_pool": W_pool, "b_pool": b_pool}


def _graphsage(h, src, dst, W, b):
    # MeanAggregator: c[v] = mean over incoming messages h[u] for edges u->v
    msum = jax.ops.segment_sum(h[src], dst, num_segments=N)
    deg = jax.ops.segment_sum(jnp.ones((src.shape[0],), dtype=h.dtype), dst, num_segments=N)
    c = msum / jnp.maximum(deg, 1.0)[:, None]
    # Bundler: concat(h, c) -> linear -> L2 normalize -> activation
    bundle = jnp.concatenate([h, c], axis=1) @ W + b
    nrm = jnp.linalg.norm(bundle, axis=1, keepdims=True)
    bundle = bundle / jnp.maximum(nrm, 1e-12)
    return jax.nn.relu(bundle)


def reference(h, edge_index, W_feat, b_feat, W_pool, b_pool):
    src = edge_index[0]
    dst = edge_index[1]
    # dropout p=0.0 -> identity
    feat = _graphsage(h, src, dst, W_feat, b_feat)          # [N, D]
    assign = _graphsage(h, src, dst, W_pool, b_pool)        # [N, ASSIGN]
    # batch_size = 1 -> block-diagonal mask is all ones -> masked_softmax == softmax
    assign = jax.nn.softmax(assign, axis=1)
    # h_new = assign^T @ feat
    h_new = assign.T @ feat                                  # [ASSIGN, D]
    # adj_new = assign^T @ (A @ assign), with A[dst, src] = 1 (sparse SpMM via scatter-add)
    adj_assign = jax.ops.segment_sum(assign[src], dst, num_segments=N)  # [N, ASSIGN]
    adj_new = assign.T @ adj_assign                          # [ASSIGN, ASSIGN]
    return (adj_new, h_new)

if __name__ == "__main__":
    import jax
    _d = setup_inputs()
    print(jax.jit(kernel)(*tuple(_d.values())))

</pallas_src>

<mosaic_0001>
#map = affine_map<(d0, d1) -> (0, 0, 0)>
#map1 = affine_map<(d0, d1) -> (0)>
#map2 = affine_map<(d0, d1) -> (0, 0)>
module attributes {stable_mosaic.version = 14 : i64} {
  func.func @body(%arg0: i32, %arg1: i32, %arg2: memref<8x10000x128xf32, #tpu.memory_space<hbm>>, %arg3: memref<320000xi32, #tpu.memory_space<hbm>>, %arg4: memref<320000xi32, #tpu.memory_space<hbm>>, %arg5: memref<640x128xf32, #tpu.memory_space<hbm>>, %arg6: memref<10240xf32, #tpu.memory_space<hbm>>, %arg7: memref<8x10000x128xf32, #tpu.memory_space<hbm>>, %arg8: memref<80xi32, #tpu.memory_space<vmem>>, %arg9: memref<80xi32, #tpu.memory_space<vmem>>, %arg10: memref<80x128xf32, #tpu.memory_space<vmem>>, %arg11: memref<10240x128xf32, #tpu.memory_space<vmem_shared>>, %arg12: memref<!tpu.dma_semaphore, #tpu.memory_space<semaphore_mem>>) attributes {dimension_semantics = [#tpu.dimension_semantics<core_parallel>, #tpu.dimension_semantics<subcore_parallel>], iteration_bounds = array<i64: 2, 16>, scalar_prefetch = 0 : i64, scratch_operands = 5 : i64, tpu.core_type = #tpu.core_type<sc_vector_subcore>, window_params = [{transform_indices = #map}, {transform_indices = #map1}, {transform_indices = #map1}, {transform_indices = #map2}, {transform_indices = #map1}, {transform_indices = #map}]} {
    %broadcast_in_dim3A = arith.constant 1.000000e+00 : f32
    %broadcast_in_dim3A_0 = vector.broadcast %broadcast_in_dim3A : f32 to vector<16xf32>
    %mul3A = arith.constant 4 : i32
    %mul3A_1 = arith.muli %arg0, %mul3A : i32
    %add3A = arith.constant 0 : i32
    %add3A_2 = arith.addi %mul3A_1, %add3A : i32
    %mul3A_3 = arith.constant 20000 : i32
    %mul3A_4 = arith.muli %arg1, %mul3A_3 : i32
    %mul3A_5 = arith.constant 640 : i32
    %mul3A_6 = arith.muli %arg1, %mul3A_5 : i32
    "tpu.region"() ({
      %run_scoped3A = tpu.sem_alloc : memref<!tpu.dma_semaphore, #tpu.memory_space<semaphore_mem>>
      %dma_start3A = arith.constant 0 : i32
      %dma_start3A_101 = tpu.memref_slice %arg11[%mul3A_6, %dma_start3A] : memref<10240x128xf32, #tpu.memory_space<vmem_shared>> -> memref<640x128xf32, #tpu.memory_space<vmem_shared>>
      tpu.enqueue_dma source(%arg5 : memref<640x128xf32, #tpu.memory_space<hbm>>) target(%dma_start3A_101 : memref<640x128xf32, #tpu.memory_space<vmem_shared>>) target_semaphore(%run_scoped3A : memref<!tpu.dma_semaphore, #tpu.memory_space<semaphore_mem>>)
      %dma_wait3A = arith.constant 0 : i32
      %dma_wait3A_102 = tpu.memref_slice %arg11[%mul3A_6, %dma_wait3A] : memref<10240x128xf32, #tpu.memory_space<vmem_shared>> -> memref<640x128xf32, #tpu.memory_space<vmem_shared>>
      tpu.wait_dma2 semaphore(%run_scoped3A : memref<!tpu.dma_semaphore, #tpu.memory_space<semaphore_mem>>) src(%arg5 : memref<640x128xf32, #tpu.memory_space<hbm>>) dst(%dma_wait3A_102 : memref<640x128xf32, #tpu.memory_space<vmem_shared>>)
      tpu.yield
    }) : () -> ()
    %barrier3A = arith.constant 0 : index
    tpu.barrier barrier_id(%barrier3A)
    %scan3A = arith.constant 0 : i32
    %scan3A_7 = arith.constant 0 : i32
    %scan3A_8 = arith.constant 250 : i32
    %scan3A_9 = arith.addi %scan3A_7, %scan3A_8 : i32
    %scan3A_10 = arith.constant 1 : i32
    %scan3A_11 = scf.for %scan3A_101 = %scan3A_7 to %scan3A_9 step %scan3A_10 iter_args(%scan3A_102 = %scan3A) -> (i32)  : i32 {
      %mul3A_103 = arith.constant 80 : i32
      %mul3A_104 = arith.muli %scan3A_101, %mul3A_103 : i32
      %add3A_105 = arith.addi %mul3A_4, %mul3A_104 : i32
      "tpu.region"() ({
        %run_scoped3A = tpu.sem_alloc : memref<!tpu.dma_semaphore, #tpu.memory_space<semaphore_mem>>
        %dma_start3A_119 = tpu.memref_slice %arg3[%add3A_105] : memref<320000xi32, #tpu.memory_space<hbm>> -> memref<80xi32, #tpu.memory_space<hbm>>
        %dma_start3A_120 = tpu.memref_slice %arg3[%add3A_105] : memref<320000xi32, #tpu.memory_space<hbm>> -> memref<80xi32, #tpu.memory_space<hbm>>
        tpu.enqueue_dma source(%dma_start3A_120 : memref<80xi32, #tpu.memory_space<hbm>>) target(%arg8 : memref<80xi32, #tpu.memory_space<vmem>>) target_semaphore(%run_scoped3A : memref<!tpu.dma_semaphore, #tpu.memory_space<semaphore_mem>>)
        %dma_wait3A_121 = tpu.memref_slice %arg3[%add3A_105] : memref<320000xi32, #tpu.memory_space<hbm>> -> memref<80xi32, #tpu.memory_space<hbm>>
        %dma_wait3A_122 = tpu.memref_slice %arg3[%add3A_105] : memref<320000xi32, #tpu.memory_space<hbm>> -> memref<80xi32, #tpu.memory_space<hbm>>
        tpu.wait_dma2 semaphore(%run_scoped3A : memref<!tpu.dma_semaphore, #tpu.memory_space<semaphore_mem>>) src(%dma_wait3A_122 : memref<80xi32, #tpu.memory_space<hbm>>) dst(%arg8 : memref<80xi32, #tpu.memory_space<vmem>>)
        tpu.yield
      }) : () -> ()
      "tpu.region"() ({
        %run_scoped3A = tpu.sem_alloc : memref<!tpu.dma_semaphore, #tpu.memory_space<semaphore_mem>>
        %dma_start3A_119 = tpu.memref_slice %arg4[%add3A_105] : memref<320000xi32, #tpu.memory_space<hbm>> -> memref<80xi32, #tpu.memory_space<hbm>>
        %dma_start3A_120 = tpu.memref_slice %arg4[%add3A_105] : memref<320000xi32, #tpu.memory_space<hbm>> -> memref<80xi32, #tpu.memory_space<hbm>>
        tpu.enqueue_dma source(%dma_start3A_120 : memref<80xi32, #tpu.memory_space<hbm>>) target(%arg9 : memref<80xi32, #tpu.memory_space<vmem>>) target_semaphore(%run_scoped3A : memref<!tpu.dma_semaphore, #tpu.memory_space<semaphore_mem>>)
        %dma_wait3A_121 = tpu.memref_slice %arg4[%add3A_105] : memref<320000xi32, #tpu.memory_space<hbm>> -> memref<80xi32, #tpu.memory_space<hbm>>
        %dma_wait3A_122 = tpu.memref_slice %arg4[%add3A_105] : memref<320000xi32, #tpu.memory_space<hbm>> -> memref<80xi32, #tpu.memory_space<hbm>>
        tpu.wait_dma2 semaphore(%run_scoped3A : memref<!tpu.dma_semaphore, #tpu.memory_space<semaphore_mem>>) src(%dma_wait3A_122 : memref<80xi32, #tpu.memory_space<hbm>>) dst(%arg9 : memref<80xi32, #tpu.memory_space<vmem>>)
        tpu.yield
      }) : () -> ()
      %dma_start3A = arith.constant 0 : i32
      %dma_start3A_106 = arith.constant 0 : i32
      %dma_start3A_107 = tpu.memref_slice %arg2[%add3A_2, %dma_start3A, %dma_start3A_106] : memref<8x10000x128xf32, #tpu.memory_space<hbm>> -> memref<1x10000x128xf32, #tpu.memory_space<hbm>>
      %dma_start3A_108 = tpu.memref_squeeze %dma_start3A_107 : memref<1x10000x128xf32, #tpu.memory_space<hbm>> -> memref<10000x128xf32, #tpu.memory_space<hbm>>
      %dma_start3A_109 = arith.constant 0 : i32
      %dma_start3A_110 = arith.constant 0 : i32
      %dma_start3A_111 = tpu.memref_slice %dma_start3A_108[%dma_start3A_109, %dma_start3A_110] : memref<10000x128xf32, #tpu.memory_space<hbm>> -> memref<10000x128xf32, #tpu.memory_space<hbm>>
      tpu.enqueue_indirect_dma source(%dma_start3A_111 : memref<10000x128xf32, #tpu.memory_space<hbm>>) target(%arg10 : memref<80x128xf32, #tpu.memory_space<vmem>>) offsets(%arg8 : memref<80xi32, #tpu.memory_space<vmem>>) semaphore(%arg12 : memref<!tpu.dma_semaphore, #tpu.memory_space<semaphore_mem>>)
      %dma_wait3A = arith.constant 0 : i32
      %dma_wait3A_112 = arith.constant 0 : i32
      %dma_wait3A_113 = tpu.memref_slice %arg2[%add3A_2, %dma_wait3A, %dma_wait3A_112] : memref<8x10000x128xf32, #tpu.memory_space<hbm>> -> memref<1x10000x128xf32, #tpu.memory_space<hbm>>
      %dma_wait3A_114 = tpu.memref_squeeze %dma_wait3A_113 : memref<1x10000x128xf32, #tpu.memory_space<hbm>> -> memref<10000x128xf32, #tpu.memory_space<hbm>>
      %dma_wait3A_115 = arith.constant 0 : i32
      %dma_wait3A_116 = arith.constant 0 : i32
      %dma_wait3A_117 = tpu.memref_slice %dma_wait3A_114[%dma_wait3A_115, %dma_wait3A_116] : memref<10000x128xf32, #tpu.memory_space<hbm>> -> memref<10000x128xf32, #tpu.memory_space<hbm>>
      tpu.wait_indirect_dma semaphore(%arg12 : memref<!tpu.dma_semaphore, #tpu.memory_space<semaphore_mem>>) src(%dma_wait3A_117 : memref<10000x128xf32, #tpu.memory_space<hbm>>) dst(%arg10 : memref<80x128xf32, #tpu.memory_space<vmem>>)
      "tpu.region"() ({
        %run_scoped3A = tpu.sem_alloc : memref<!tpu.dma_semaphore, #tpu.memory_space<semaphore_mem>>
        %dma_start3A_119 = arith.constant 0 : i32
        %dma_start3A_120 = arith.constant 0 : i32
        %dma_start3A_121 = tpu.memref_slice %arg11[%dma_start3A_119, %dma_start3A_120] : memref<10240x128xf32, #tpu.memory_space<vmem_shared>> -> memref<10240x128xf32, #tpu.memory_space<vmem_shared>>
        tpu.enqueue_indirect_dma source(%arg10 : memref<80x128xf32, #tpu.memory_space<vmem>>) target(%dma_start3A_121 : memref<10240x128xf32, #tpu.memory_space<vmem_shared>>) offsets(%arg9 : memref<80xi32, #tpu.memory_space<vmem>>) semaphore(%run_scoped3A : memref<!tpu.dma_semaphore, #tpu.memory_space<semaphore_mem>>) {add = true}
        %dma_wait3A_122 = arith.constant 0 : i32
        %dma_wait3A_123 = arith.constant 0 : i32
        %dma_wait3A_124 = tpu.memref_slice %arg11[%dma_wait3A_122, %dma_wait3A_123] : memref<10240x128xf32, #tpu.memory_space<vmem_shared>> -> memref<10240x128xf32, #tpu.memory_space<vmem_shared>>
        tpu.wait_indirect_dma semaphore(%run_scoped3A : memref<!tpu.dma_semaphore, #tpu.memory_space<semaphore_mem>>) src(%arg10 : memref<80x128xf32, #tpu.memory_space<vmem>>) dst(%dma_wait3A_124 : memref<10240x128xf32, #tpu.memory_space<vmem_shared>>)
        tpu.yield
      }) : () -> ()
      %scan3A_118 = arith.constant 0 : i32
      scf.yield %scan3A_118 : i32
    }
    %scan3A_12 = arith.constant 250 : i32
    %barrier3A_13 = arith.constant 0 : index
    tpu.barrier barrier_id(%barrier3A_13)
    %lt3A = arith.constant 15 : i32
    %lt3A_14 = arith.cmpi slt, %arg1, %lt3A : i32
    %convert_element_type3A = arith.extui %lt3A_14 : i1 to i32
    %cond3A = arith.constant 0 : i32
    %cond3A_15 = arith.cmpi ne, %convert_element_type3A, %cond3A : i32
    scf.if %cond3A_15 {
      %mul3A_101 = arith.constant 640 : i32
      %mul3A_102 = arith.muli %arg1, %mul3A_101 : i32
      %mul3A_103 = arith.constant 640 : i32
      %mul3A_104 = arith.muli %arg1, %mul3A_103 : i32
      "tpu.region"() ({
        %run_scoped3A = tpu.sem_alloc : memref<!tpu.dma_semaphore, #tpu.memory_space<semaphore_mem>>
        %dma_start3A = arith.constant 0 : i32
        %dma_start3A_105 = arith.constant 0 : i32
        %dma_start3A_106 = tpu.memref_slice %arg7[%add3A_2, %dma_start3A, %dma_start3A_105] : memref<8x10000x128xf32, #tpu.memory_space<hbm>> -> memref<1x10000x128xf32, #tpu.memory_space<hbm>>
        %dma_start3A_107 = tpu.memref_squeeze %dma_start3A_106 : memref<1x10000x128xf32, #tpu.memory_space<hbm>> -> memref<10000x128xf32, #tpu.memory_space<hbm>>
        %dma_start3A_108 = arith.constant 0 : i32
        %dma_start3A_109 = tpu.memref_slice %dma_start3A_107[%mul3A_104, %dma_start3A_108] : memref<10000x128xf32, #tpu.memory_space<hbm>> -> memref<640x128xf32, #tpu.memory_space<hbm>>
        %dma_start3A_110 = arith.constant 0 : i32
        %dma_start3A_111 = tpu.memref_slice %arg11[%mul3A_102, %dma_start3A_110] : memref<10240x128xf32, #tpu.memory_space<vmem_shared>> -> memref<640x128xf32, #tpu.memory_space<vmem_shared>>
        tpu.enqueue_dma source(%dma_start3A_111 : memref<640x128xf32, #tpu.memory_space<vmem_shared>>) target(%dma_start3A_109 : memref<640x128xf32, #tpu.memory_space<hbm>>) target_semaphore(%run_scoped3A : memref<!tpu.dma_semaphore, #tpu.memory_space<semaphore_mem>>)
        %dma_wait3A = arith.constant 0 : i32
        %dma_wait3A_112 = arith.constant 0 : i32
        %dma_wait3A_113 = tpu.memref_slice %arg7[%add3A_2, %dma_wait3A, %dma_wait3A_112] : memref<8x10000x128xf32, #tpu.memory_space<hbm>> -> memref<1x10000x128xf32, #tpu.memory_space<hbm>>
        %dma_wait3A_114 = tpu.memref_squeeze %dma_wait3A_113 : memref<1x10000x128xf32, #tpu.memory_space<hbm>> -> memref<10000x128xf32, #tpu.memory_space<hbm>>
        %dma_wait3A_115 = arith.constant 0 : i32
        %dma_wait3A_116 = tpu.memref_slice %dma_wait3A_114[%mul3A_104, %dma_wait3A_115] : memref<10000x128xf32, #tpu.memory_space<hbm>> -> memref<640x128xf32, #tpu.memory_space<hbm>>
        %dma_wait3A_117 = arith.constant 0 : i32
        %dma_wait3A_118 = tpu.memref_slice %arg11[%mul3A_102, %dma_wait3A_117] : memref<10240x128xf32, #tpu.memory_space<vmem_shared>> -> memref<640x128xf32, #tpu.memory_space<vmem_shared>>
        tpu.wait_dma2 semaphore(%run_scoped3A : memref<!tpu.dma_semaphore, #tpu.memory_space<semaphore_mem>>) src(%dma_wait3A_118 : memref<640x128xf32, #tpu.memory_space<vmem_shared>>) dst(%dma_wait3A_116 : memref<640x128xf32, #tpu.memory_space<hbm>>)
        tpu.yield
      }) : () -> ()
    } else {
    }
    %eq3A = arith.constant 15 : i32
    %eq3A_16 = arith.cmpi eq, %arg1, %eq3A : i32
    %convert_element_type3A_17 = arith.extui %eq3A_16 : i1 to i32
    %cond3A_18 = arith.constant 0 : i32
    %cond3A_19 = arith.cmpi ne, %convert_element_type3A_17, %cond3A_18 : i32
    scf.if %cond3A_19 {
      "tpu.region"() ({
        %run_scoped3A = tpu.sem_alloc : memref<!tpu.dma_semaphore, #tpu.memory_space<semaphore_mem>>
        %dma_start3A = arith.constant 0 : i32
        %dma_start3A_101 = arith.constant 0 : i32
        %dma_start3A_102 = tpu.memref_slice %arg7[%add3A_2, %dma_start3A, %dma_start3A_101] : memref<8x10000x128xf32, #tpu.memory_space<hbm>> -> memref<1x10000x128xf32, #tpu.memory_space<hbm>>
        %dma_start3A_103 = tpu.memref_squeeze %dma_start3A_102 : memref<1x10000x128xf32, #tpu.memory_space<hbm>> -> memref<10000x128xf32, #tpu.memory_space<hbm>>
        %dma_start3A_104 = arith.constant 9600 : i32
        %dma_start3A_105 = arith.constant 0 : i32
        %dma_start3A_106 = tpu.memref_slice %dma_start3A_103[%dma_start3A_104, %dma_start3A_105] : memref<10000x128xf32, #tpu.memory_space<hbm>> -> memref<400x128xf32, #tpu.memory_space<hbm>>
        %dma_start3A_107 = arith.constant 9600 : i32
        %dma_start3A_108 = arith.constant 0 : i32
        %dma_start3A_109 = tpu.memref_slice %arg11[%dma_start3A_107, %dma_start3A_108] : memref<10240x128xf32, #tpu.memory_space<vmem_shared>> -> memref<400x128xf32, #tpu.memory_space<vmem_shared>>
        tpu.enqueue_dma source(%dma_start3A_109 : memref<400x128xf32, #tpu.memory_space<vmem_shared>>) target(%dma_start3A_106 : memref<400x128xf32, #tpu.memory_space<hbm>>) target_semaphore(%run_scoped3A : memref<!tpu.dma_semaphore, #tpu.memory_space<semaphore_mem>>)
        %dma_wait3A = arith.constant 0 : i32
        %dma_wait3A_110 = arith.constant 0 : i32
        %dma_wait3A_111 = tpu.memref_slice %arg7[%add3A_2, %dma_wait3A, %dma_wait3A_110] : memref<8x10000x128xf32, #tpu.memory_space<hbm>> -> memref<1x10000x128xf32, #tpu.memory_space<hbm>>
        %dma_wait3A_112 = tpu.memref_squeeze %dma_wait3A_111 : memref<1x10000x128xf32, #tpu.memory_space<hbm>> -> memref<10000x128xf32, #tpu.memory_space<hbm>>
        %dma_wait3A_113 = arith.constant 9600 : i32
        %dma_wait3A_114 = arith.constant 0 : i32
        %dma_wait3A_115 = tpu.memref_slice %dma_wait3A_112[%dma_wait3A_113, %dma_wait3A_114] : memref<10000x128xf32, #tpu.memory_space<hbm>> -> memref<400x128xf32, #tpu.memory_space<hbm>>
        %dma_wait3A_116 = arith.constant 9600 : i32
        %dma_wait3A_117 = arith.constant 0 : i32
        %dma_wait3A_118 = tpu.memref_slice %arg11[%dma_wait3A_116, %dma_wait3A_117] : memref<10240x128xf32, #tpu.memory_space<vmem_shared>> -> memref<400x128xf32, #tpu.memory_space<vmem_shared>>
        tpu.wait_dma2 semaphore(%run_scoped3A : memref<!tpu.dma_semaphore, #tpu.memory_space<semaphore_mem>>) src(%dma_wait3A_118 : memref<400x128xf32, #tpu.memory_space<vmem_shared>>) dst(%dma_wait3A_115 : memref<400x128xf32, #tpu.memory_space<hbm>>)
        tpu.yield
      }) : () -> ()
    } else {
    }
    %mul3A_20 = arith.constant 4 : i32
    %mul3A_21 = arith.muli %arg0, %mul3A_20 : i32
    %add3A_22 = arith.constant 1 : i32
    %add3A_23 = arith.addi %mul3A_21, %add3A_22 : i32
    %mul3A_24 = arith.constant 20000 : i32
    %mul3A_25 = arith.muli %arg1, %mul3A_24 : i32
    %mul3A_26 = arith.constant 640 : i32
    %mul3A_27 = arith.muli %arg1, %mul3A_26 : i32
    "tpu.region"() ({
      %run_scoped3A = tpu.sem_alloc : memref<!tpu.dma_semaphore, #tpu.memory_space<semaphore_mem>>
      %dma_start3A = arith.constant 0 : i32
      %dma_start3A_101 = tpu.memref_slice %arg11[%mul3A_27, %dma_start3A] : memref<10240x128xf32, #tpu.memory_space<vmem_shared>> -> memref<640x128xf32, #tpu.memory_space<vmem_shared>>
      tpu.enqueue_dma source(%arg5 : memref<640x128xf32, #tpu.memory_space<hbm>>) target(%dma_start3A_101 : memref<640x128xf32, #tpu.memory_space<vmem_shared>>) target_semaphore(%run_scoped3A : memref<!tpu.dma_semaphore, #tpu.memory_space<semaphore_mem>>)
      %dma_wait3A = arith.constant 0 : i32
      %dma_wait3A_102 = tpu.memref_slice %arg11[%mul3A_27, %dma_wait3A] : memref<10240x128xf32, #tpu.memory_space<vmem_shared>> -> memref<640x128xf32, #tpu.memory_space<vmem_shared>>
      tpu.wait_dma2 semaphore(%run_scoped3A : memref<!tpu.dma_semaphore, #tpu.memory_space<semaphore_mem>>) src(%arg5 : memref<640x128xf32, #tpu.memory_space<hbm>>) dst(%dma_wait3A_102 : memref<640x128xf32, #tpu.memory_space<vmem_shared>>)
      tpu.yield
    }) : () -> ()
    %barrier3A_28 = arith.constant 0 : index
    tpu.barrier barrier_id(%barrier3A_28)
    %scan3A_29 = arith.constant 0 : i32
    %scan3A_30 = arith.constant 0 : i32
    %scan3A_31 = arith.constant 250 : i32
    %scan3A_32 = arith.addi %scan3A_30, %scan3A_31 : i32
    %scan3A_33 = arith.constant 1 : i32
    %scan3A_34 = scf.for %scan3A_101 = %scan3A_30 to %scan3A_32 step %scan3A_33 iter_args(%scan3A_102 = %scan3A_29) -> (i32)  : i32 {
      %mul3A_103 = arith.constant 80 : i32
      %mul3A_104 = arith.muli %scan3A_101, %mul3A_103 : i32
      %add3A_105 = arith.addi %mul3A_25, %mul3A_104 : i32
      "tpu.region"() ({
        %run_scoped3A = tpu.sem_alloc : memref<!tpu.dma_semaphore, #tpu.memory_space<semaphore_mem>>
        %dma_start3A_119 = tpu.memref_slice %arg3[%add3A_105] : memref<320000xi32, #tpu.memory_space<hbm>> -> memref<80xi32, #tpu.memory_space<hbm>>
        %dma_start3A_120 = tpu.memref_slice %arg3[%add3A_105] : memref<320000xi32, #tpu.memory_space<hbm>> -> memref<80xi32, #tpu.memory_space<hbm>>
        tpu.enqueue_dma source(%dma_start3A_120 : memref<80xi32, #tpu.memory_space<hbm>>) target(%arg8 : memref<80xi32, #tpu.memory_space<vmem>>) target_semaphore(%run_scoped3A : memref<!tpu.dma_semaphore, #tpu.memory_space<semaphore_mem>>)
        %dma_wait3A_121 = tpu.memref_slice %arg3[%add3A_105] : memref<320000xi32, #tpu.memory_space<hbm>> -> memref<80xi32, #tpu.memory_space<hbm>>
        %dma_wait3A_122 = tpu.memref_slice %arg3[%add3A_105] : memref<320000xi32, #tpu.memory_space<hbm>> -> memref<80xi32, #tpu.memory_space<hbm>>
        tpu.wait_dma2 semaphore(%run_scoped3A : memref<!tpu.dma_semaphore, #tpu.memory_space<semaphore_mem>>) src(%dma_wait3A_122 : memref<80xi32, #tpu.memory_space<hbm>>) dst(%arg8 : memref<80xi32, #tpu.memory_space<vmem>>)
        tpu.yield
      }) : () -> ()
      "tpu.region"() ({
        %run_scoped3A = tpu.sem_alloc : memref<!tpu.dma_semaphore, #tpu.memory_space<semaphore_mem>>
        %dma_start3A_119 = tpu.memref_slice %arg4[%add3A_105] : memref<320000xi32, #tpu.memory_space<hbm>> -> memref<80xi32, #tpu.memory_space<hbm>>
        %dma_start3A_120 = tpu.memref_slice %arg4[%add3A_105] : memref<320000xi32, #tpu.memory_space<hbm>> -> memref<80xi32, #tpu.memory_space<hbm>>
        tpu.enqueue_dma source(%dma_start3A_120 : memref<80xi32, #tpu.memory_space<hbm>>) target(%arg9 : memref<80xi32, #tpu.memory_space<vmem>>) target_semaphore(%run_scoped3A : memref<!tpu.dma_semaphore, #tpu.memory_space<semaphore_mem>>)
        %dma_wait3A_121 = tpu.memref_slice %arg4[%add3A_105] : memref<320000xi32, #tpu.memory_space<hbm>> -> memref<80xi32, #tpu.memory_space<hbm>>
        %dma_wait3A_122 = tpu.memref_slice %arg4[%add3A_105] : memref<320000xi32, #tpu.memory_space<hbm>> -> memref<80xi32, #tpu.memory_space<hbm>>
        tpu.wait_dma2 semaphore(%run_scoped3A : memref<!tpu.dma_semaphore, #tpu.memory_space<semaphore_mem>>) src(%dma_wait3A_122 : memref<80xi32, #tpu.memory_space<hbm>>) dst(%arg9 : memref<80xi32, #tpu.memory_space<vmem>>)
        tpu.yield
      }) : () -> ()
      %dma_start3A = arith.constant 0 : i32
      %dma_start3A_106 = arith.constant 0 : i32
      %dma_start3A_107 = tpu.memref_slice %arg2[%add3A_23, %dma_start3A, %dma_start3A_106] : memref<8x10000x128xf32, #tpu.memory_space<hbm>> -> memref<1x10000x128xf32, #tpu.memory_space<hbm>>
      %dma_start3A_108 = tpu.memref_squeeze %dma_start3A_107 : memref<1x10000x128xf32, #tpu.memory_space<hbm>> -> memref<10000x128xf32, #tpu.memory_space<hbm>>
      %dma_start3A_109 = arith.constant 0 : i32
      %dma_start3A_110 = arith.constant 0 : i32
      %dma_start3A_111 = tpu.memref_slice %dma_start3A_108[%dma_start3A_109, %dma_start3A_110] : memref<10000x128xf32, #tpu.memory_space<hbm>> -> memref<10000x128xf32, #tpu.memory_space<hbm>>
      tpu.enqueue_indirect_dma source(%dma_start3A_111 : memref<10000x128xf32, #tpu.memory_space<hbm>>) target(%arg10 : memref<80x128xf32, #tpu.memory_space<vmem>>) offsets(%arg8 : memref<80xi32, #tpu.memory_space<vmem>>) semaphore(%arg12 : memref<!tpu.dma_semaphore, #tpu.memory_space<semaphore_mem>>)
      %dma_wait3A = arith.constant 0 : i32
      %dma_wait3A_112 = arith.constant 0 : i32
      %dma_wait3A_113 = tpu.memref_slice %arg2[%add3A_23, %dma_wait3A, %dma_wait3A_112] : memref<8x10000x128xf32, #tpu.memory_space<hbm>> -> memref<1x10000x128xf32, #tpu.memory_space<hbm>>
      %dma_wait3A_114 = tpu.memref_squeeze %dma_wait3A_113 : memref<1x10000x128xf32, #tpu.memory_space<hbm>> -> memref<10000x128xf32, #tpu.memory_space<hbm>>
      %dma_wait3A_115 = arith.constant 0 : i32
      %dma_wait3A_116 = arith.constant 0 : i32
      %dma_wait3A_117 = tpu.memref_slice %dma_wait3A_114[%dma_wait3A_115, %dma_wait3A_116] : memref<10000x128xf32, #tpu.memory_space<hbm>> -> memref<10000x128xf32, #tpu.memory_space<hbm>>
      tpu.wait_indirect_dma semaphore(%arg12 : memref<!tpu.dma_semaphore, #tpu.memory_space<semaphore_mem>>) src(%dma_wait3A_117 : memref<10000x128xf32, #tpu.memory_space<hbm>>) dst(%arg10 : memref<80x128xf32, #tpu.memory_space<vmem>>)
      "tpu.region"() ({
        %run_scoped3A = tpu.sem_alloc : memref<!tpu.dma_semaphore, #tpu.memory_space<semaphore_mem>>
        %dma_start3A_119 = arith.constant 0 : i32
        %dma_start3A_120 = arith.constant 0 : i32
        %dma_start3A_121 = tpu.memref_slice %arg11[%dma_start3A_119, %dma_start3A_120] : memref<10240x128xf32, #tpu.memory_space<vmem_shared>> -> memref<10240x128xf32, #tpu.memory_space<vmem_shared>>
        tpu.enqueue_indirect_dma source(%arg10 : memref<80x128xf32, #tpu.memory_space<vmem>>) target(%dma_start3A_121 : memref<10240x128xf32, #tpu.memory_space<vmem_shared>>) offsets(%arg9 : memref<80xi32, #tpu.memory_space<vmem>>) semaphore(%run_scoped3A : memref<!tpu.dma_semaphore, #tpu.memory_space<semaphore_mem>>) {add = true}
        %dma_wait3A_122 = arith.constant 0 : i32
        %dma_wait3A_123 = arith.constant 0 : i32
        %dma_wait3A_124 = tpu.memref_slice %arg11[%dma_wait3A_122, %dma_wait3A_123] : memref<10240x128xf32, #tpu.memory_space<vmem_shared>> -> memref<10240x128xf32, #tpu.memory_space<vmem_shared>>
        tpu.wait_indirect_dma semaphore(%run_scoped3A : memref<!tpu.dma_semaphore, #tpu.memory_space<semaphore_mem>>) src(%arg10 : memref<80x128xf32, #tpu.memory_space<vmem>>) dst(%dma_wait3A_124 : memref<10240x128xf32, #tpu.memory_space<vmem_shared>>)
        tpu.yield
      }) : () -> ()
      %scan3A_118 = arith.constant 0 : i32
      scf.yield %scan3A_118 : i32
    }
    %scan3A_35 = arith.constant 250 : i32
    %barrier3A_36 = arith.constant 0 : index
    tpu.barrier barrier_id(%barrier3A_36)
    %lt3A_37 = arith.constant 15 : i32
    %lt3A_38 = arith.cmpi slt, %arg1, %lt3A_37 : i32
    %convert_element_type3A_39 = arith.extui %lt3A_38 : i1 to i32
    %cond3A_40 = arith.constant 0 : i32
    %cond3A_41 = arith.cmpi ne, %convert_element_type3A_39, %cond3A_40 : i32
    scf.if %cond3A_41 {
      %mul3A_101 = arith.constant 640 : i32
      %mul3A_102 = arith.muli %arg1, %mul3A_101 : i32
      %mul3A_103 = arith.constant 640 : i32
      %mul3A_104 = arith.muli %arg1, %mul3A_103 : i32
      "tpu.region"() ({
        %run_scoped3A = tpu.sem_alloc : memref<!tpu.dma_semaphore, #tpu.memory_space<semaphore_mem>>
        %dma_start3A = arith.constant 0 : i32
        %dma_start3A_105 = arith.constant 0 : i32
        %dma_start3A_106 = tpu.memref_slice %arg7[%add3A_23, %dma_start3A, %dma_start3A_105] : memref<8x10000x128xf32, #tpu.memory_space<hbm>> -> memref<1x10000x128xf32, #tpu.memory_space<hbm>>
        %dma_start3A_107 = tpu.memref_squeeze %dma_start3A_106 : memref<1x10000x128xf32, #tpu.memory_space<hbm>> -> memref<10000x128xf32, #tpu.memory_space<hbm>>
        %dma_start3A_108 = arith.constant 0 : i32
        %dma_start3A_109 = tpu.memref_slice %dma_start3A_107[%mul3A_104, %dma_start3A_108] : memref<10000x128xf32, #tpu.memory_space<hbm>> -> memref<640x128xf32, #tpu.memory_space<hbm>>
        %dma_start3A_110 = arith.constant 0 : i32
        %dma_start3A_111 = tpu.memref_slice %arg11[%mul3A_102, %dma_start3A_110] : memref<10240x128xf32, #tpu.memory_space<vmem_shared>> -> memref<640x128xf32, #tpu.memory_space<vmem_shared>>
        tpu.enqueue_dma source(%dma_start3A_111 : memref<640x128xf32, #tpu.memory_space<vmem_shared>>) target(%dma_start3A_109 : memref<640x128xf32, #tpu.memory_space<hbm>>) target_semaphore(%run_scoped3A : memref<!tpu.dma_semaphore, #tpu.memory_space<semaphore_mem>>)
        %dma_wait3A = arith.constant 0 : i32
        %dma_wait3A_112 = arith.constant 0 : i32
        %dma_wait3A_113 = tpu.memref_slice %arg7[%add3A_23, %dma_wait3A, %dma_wait3A_112] : memref<8x10000x128xf32, #tpu.memory_space<hbm>> -> memref<1x10000x128xf32, #tpu.memory_space<hbm>>
        %dma_wait3A_114 = tpu.memref_squeeze %dma_wait3A_113 : memref<1x10000x128xf32, #tpu.memory_space<hbm>> -> memref<10000x128xf32, #tpu.memory_space<hbm>>
        %dma_wait3A_115 = arith.constant 0 : i32
        %dma_wait3A_116 = tpu.memref_slice %dma_wait3A_114[%mul3A_104, %dma_wait3A_115] : memref<10000x128xf32, #tpu.memory_space<hbm>> -> memref<640x128xf32, #tpu.memory_space<hbm>>
        %dma_wait3A_117 = arith.constant 0 : i32
        %dma_wait3A_118 = tpu.memref_slice %arg11[%mul3A_102, %dma_wait3A_117] : memref<10240x128xf32, #tpu.memory_space<vmem_shared>> -> memref<640x128xf32, #tpu.memory_space<vmem_shared>>
        tpu.wait_dma2 semaphore(%run_scoped3A : memref<!tpu.dma_semaphore, #tpu.memory_space<semaphore_mem>>) src(%dma_wait3A_118 : memref<640x128xf32, #tpu.memory_space<vmem_shared>>) dst(%dma_wait3A_116 : memref<640x128xf32, #tpu.memory_space<hbm>>)
        tpu.yield
      }) : () -> ()
    } else {
    }
    %eq3A_42 = arith.constant 15 : i32
    %eq3A_43 = arith.cmpi eq, %arg1, %eq3A_42 : i32
    %convert_element_type3A_44 = arith.extui %eq3A_43 : i1 to i32
    %cond3A_45 = arith.constant 0 : i32
    %cond3A_46 = arith.cmpi ne, %convert_element_type3A_44, %cond3A_45 : i32
    scf.if %cond3A_46 {
      "tpu.region"() ({
        %run_scoped3A = tpu.sem_alloc : memref<!tpu.dma_semaphore, #tpu.memory_space<semaphore_mem>>
        %dma_start3A = arith.constant 0 : i32
        %dma_start3A_101 = arith.constant 0 : i32
        %dma_start3A_102 = tpu.memref_slice %arg7[%add3A_23, %dma_start3A, %dma_start3A_101] : memref<8x10000x128xf32, #tpu.memory_space<hbm>> -> memref<1x10000x128xf32, #tpu.memory_space<hbm>>
        %dma_start3A_103 = tpu.memref_squeeze %dma_start3A_102 : memref<1x10000x128xf32, #tpu.memory_space<hbm>> -> memref<10000x128xf32, #tpu.memory_space<hbm>>
        %dma_start3A_104 = arith.constant 9600 : i32
        %dma_start3A_105 = arith.constant 0 : i32
        %dma_start3A_106 = tpu.memref_slice %dma_start3A_103[%dma_start3A_104, %dma_start3A_105] : memref<10000x128xf32, #tpu.memory_space<hbm>> -> memref<400x128xf32, #tpu.memory_space<hbm>>
        %dma_start3A_107 = arith.constant 9600 : i32
        %dma_start3A_108 = arith.constant 0 : i32
        %dma_start3A_109 = tpu.memref_slice %arg11[%dma_start3A_107, %dma_start3A_108] : memref<10240x128xf32, #tpu.memory_space<vmem_shared>> -> memref<400x128xf32, #tpu.memory_space<vmem_shared>>
        tpu.enqueue_dma source(%dma_start3A_109 : memref<400x128xf32, #tpu.memory_space<vmem_shared>>) target(%dma_start3A_106 : memref<400x128xf32, #tpu.memory_space<hbm>>) target_semaphore(%run_scoped3A : memref<!tpu.dma_semaphore, #tpu.memory_space<semaphore_mem>>)
        %dma_wait3A = arith.constant 0 : i32
        %dma_wait3A_110 = arith.constant 0 : i32
        %dma_wait3A_111 = tpu.memref_slice %arg7[%add3A_23, %dma_wait3A, %dma_wait3A_110] : memref<8x10000x128xf32, #tpu.memory_space<hbm>> -> memref<1x10000x128xf32, #tpu.memory_space<hbm>>
        %dma_wait3A_112 = tpu.memref_squeeze %dma_wait3A_111 : memref<1x10000x128xf32, #tpu.memory_space<hbm>> -> memref<10000x128xf32, #tpu.memory_space<hbm>>
        %dma_wait3A_113 = arith.constant 9600 : i32
        %dma_wait3A_114 = arith.constant 0 : i32
        %dma_wait3A_115 = tpu.memref_slice %dma_wait3A_112[%dma_wait3A_113, %dma_wait3A_114] : memref<10000x128xf32, #tpu.memory_space<hbm>> -> memref<400x128xf32, #tpu.memory_space<hbm>>
        %dma_wait3A_116 = arith.constant 9600 : i32
        %dma_wait3A_117 = arith.constant 0 : i32
        %dma_wait3A_118 = tpu.memref_slice %arg11[%dma_wait3A_116, %dma_wait3A_117] : memref<10240x128xf32, #tpu.memory_space<vmem_shared>> -> memref<400x128xf32, #tpu.memory_space<vmem_shared>>
        tpu.wait_dma2 semaphore(%run_scoped3A : memref<!tpu.dma_semaphore, #tpu.memory_space<semaphore_mem>>) src(%dma_wait3A_118 : memref<400x128xf32, #tpu.memory_space<vmem_shared>>) dst(%dma_wait3A_115 : memref<400x128xf32, #tpu.memory_space<hbm>>)
        tpu.yield
      }) : () -> ()
    } else {
    }
    %mul3A_47 = arith.constant 4 : i32
    %mul3A_48 = arith.muli %arg0, %mul3A_47 : i32
    %add3A_49 = arith.constant 2 : i32
    %add3A_50 = arith.addi %mul3A_48, %add3A_49 : i32
    %mul3A_51 = arith.constant 20000 : i32
    %mul3A_52 = arith.muli %arg1, %mul3A_51 : i32
    %mul3A_53 = arith.constant 640 : i32
    %mul3A_54 = arith.muli %arg1, %mul3A_53 : i32
    "tpu.region"() ({
      %run_scoped3A = tpu.sem_alloc : memref<!tpu.dma_semaphore, #tpu.memory_space<semaphore_mem>>
      %dma_start3A = arith.constant 0 : i32
      %dma_start3A_101 = tpu.memref_slice %arg11[%mul3A_54, %dma_start3A] : memref<10240x128xf32, #tpu.memory_space<vmem_shared>> -> memref<640x128xf32, #tpu.memory_space<vmem_shared>>
      tpu.enqueue_dma source(%arg5 : memref<640x128xf32, #tpu.memory_space<hbm>>) target(%dma_start3A_101 : memref<640x128xf32, #tpu.memory_space<vmem_shared>>) target_semaphore(%run_scoped3A : memref<!tpu.dma_semaphore, #tpu.memory_space<semaphore_mem>>)
      %dma_wait3A = arith.constant 0 : i32
      %dma_wait3A_102 = tpu.memref_slice %arg11[%mul3A_54, %dma_wait3A] : memref<10240x128xf32, #tpu.memory_space<vmem_shared>> -> memref<640x128xf32, #tpu.memory_space<vmem_shared>>
      tpu.wait_dma2 semaphore(%run_scoped3A : memref<!tpu.dma_semaphore, #tpu.memory_space<semaphore_mem>>) src(%arg5 : memref<640x128xf32, #tpu.memory_space<hbm>>) dst(%dma_wait3A_102 : memref<640x128xf32, #tpu.memory_space<vmem_shared>>)
      tpu.yield
    }) : () -> ()
    %barrier3A_55 = arith.constant 0 : index
    tpu.barrier barrier_id(%barrier3A_55)
    %scan3A_56 = arith.constant 0 : i32
    %scan3A_57 = arith.constant 0 : i32
    %scan3A_58 = arith.constant 250 : i32
    %scan3A_59 = arith.addi %scan3A_57, %scan3A_58 : i32
    %scan3A_60 = arith.constant 1 : i32
    %scan3A_61 = scf.for %scan3A_101 = %scan3A_57 to %scan3A_59 step %scan3A_60 iter_args(%scan3A_102 = %scan3A_56) -> (i32)  : i32 {
      %mul3A_103 = arith.constant 80 : i32
      %mul3A_104 = arith.muli %scan3A_101, %mul3A_103 : i32
      %add3A_105 = arith.addi %mul3A_52, %mul3A_104 : i32
      "tpu.region"() ({
        %run_scoped3A = tpu.sem_alloc : memref<!tpu.dma_semaphore, #tpu.memory_space<semaphore_mem>>
        %dma_start3A_119 = tpu.memref_slice %arg3[%add3A_105] : memref<320000xi32, #tpu.memory_space<hbm>> -> memref<80xi32, #tpu.memory_space<hbm>>
        %dma_start3A_120 = tpu.memref_slice %arg3[%add3A_105] : memref<320000xi32, #tpu.memory_space<hbm>> -> memref<80xi32, #tpu.memory_space<hbm>>
        tpu.enqueue_dma source(%dma_start3A_120 : memref<80xi32, #tpu.memory_space<hbm>>) target(%arg8 : memref<80xi32, #tpu.memory_space<vmem>>) target_semaphore(%run_scoped3A : memref<!tpu.dma_semaphore, #tpu.memory_space<semaphore_mem>>)
        %dma_wait3A_121 = tpu.memref_slice %arg3[%add3A_105] : memref<320000xi32, #tpu.memory_space<hbm>> -> memref<80xi32, #tpu.memory_space<hbm>>
        %dma_wait3A_122 = tpu.memref_slice %arg3[%add3A_105] : memref<320000xi32, #tpu.memory_space<hbm>> -> memref<80xi32, #tpu.memory_space<hbm>>
        tpu.wait_dma2 semaphore(%run_scoped3A : memref<!tpu.dma_semaphore, #tpu.memory_space<semaphore_mem>>) src(%dma_wait3A_122 : memref<80xi32, #tpu.memory_space<hbm>>) dst(%arg8 : memref<80xi32, #tpu.memory_space<vmem>>)
        tpu.yield
      }) : () -> ()
      "tpu.region"() ({
        %run_scoped3A = tpu.sem_alloc : memref<!tpu.dma_semaphore, #tpu.memory_space<semaphore_mem>>
        %dma_start3A_119 = tpu.memref_slice %arg4[%add3A_105] : memref<320000xi32, #tpu.memory_space<hbm>> -> memref<80xi32, #tpu.memory_space<hbm>>
        %dma_start3A_120 = tpu.memref_slice %arg4[%add3A_105] : memref<320000xi32, #tpu.memory_space<hbm>> -> memref<80xi32, #tpu.memory_space<hbm>>
        tpu.enqueue_dma source(%dma_start3A_120 : memref<80xi32, #tpu.memory_space<hbm>>) target(%arg9 : memref<80xi32, #tpu.memory_space<vmem>>) target_semaphore(%run_scoped3A : memref<!tpu.dma_semaphore, #tpu.memory_space<semaphore_mem>>)
        %dma_wait3A_121 = tpu.memref_slice %arg4[%add3A_105] : memref<320000xi32, #tpu.memory_space<hbm>> -> memref<80xi32, #tpu.memory_space<hbm>>
        %dma_wait3A_122 = tpu.memref_slice %arg4[%add3A_105] : memref<320000xi32, #tpu.memory_space<hbm>> -> memref<80xi32, #tpu.memory_space<hbm>>
        tpu.wait_dma2 semaphore(%run_scoped3A : memref<!tpu.dma_semaphore, #tpu.memory_space<semaphore_mem>>) src(%dma_wait3A_122 : memref<80xi32, #tpu.memory_space<hbm>>) dst(%arg9 : memref<80xi32, #tpu.memory_space<vmem>>)
        tpu.yield
      }) : () -> ()
      %dma_start3A = arith.constant 0 : i32
      %dma_start3A_106 = arith.constant 0 : i32
      %dma_start3A_107 = tpu.memref_slice %arg2[%add3A_50, %dma_start3A, %dma_start3A_106] : memref<8x10000x128xf32, #tpu.memory_space<hbm>> -> memref<1x10000x128xf32, #tpu.memory_space<hbm>>
      %dma_start3A_108 = tpu.memref_squeeze %dma_start3A_107 : memref<1x10000x128xf32, #tpu.memory_space<hbm>> -> memref<10000x128xf32, #tpu.memory_space<hbm>>
      %dma_start3A_109 = arith.constant 0 : i32
      %dma_start3A_110 = arith.constant 0 : i32
      %dma_start3A_111 = tpu.memref_slice %dma_start3A_108[%dma_start3A_109, %dma_start3A_110] : memref<10000x128xf32, #tpu.memory_space<hbm>> -> memref<10000x128xf32, #tpu.memory_space<hbm>>
      tpu.enqueue_indirect_dma source(%dma_start3A_111 : memref<10000x128xf32, #tpu.memory_space<hbm>>) target(%arg10 : memref<80x128xf32, #tpu.memory_space<vmem>>) offsets(%arg8 : memref<80xi32, #tpu.memory_space<vmem>>) semaphore(%arg12 : memref<!tpu.dma_semaphore, #tpu.memory_space<semaphore_mem>>)
      %dma_wait3A = arith.constant 0 : i32
      %dma_wait3A_112 = arith.constant 0 : i32
      %dma_wait3A_113 = tpu.memref_slice %arg2[%add3A_50, %dma_wait3A, %dma_wait3A_112] : memref<8x10000x128xf32, #tpu.memory_space<hbm>> -> memref<1x10000x128xf32, #tpu.memory_space<hbm>>
      %dma_wait3A_114 = tpu.memref_squeeze %dma_wait3A_113 : memref<1x10000x128xf32, #tpu.memory_space<hbm>> -> memref<10000x128xf32, #tpu.memory_space<hbm>>
      %dma_wait3A_115 = arith.constant 0 : i32
      %dma_wait3A_116 = arith.constant 0 : i32
      %dma_wait3A_117 = tpu.memref_slice %dma_wait3A_114[%dma_wait3A_115, %dma_wait3A_116] : memref<10000x128xf32, #tpu.memory_space<hbm>> -> memref<10000x128xf32, #tpu.memory_space<hbm>>
      tpu.wait_indirect_dma semaphore(%arg12 : memref<!tpu.dma_semaphore, #tpu.memory_space<semaphore_mem>>) src(%dma_wait3A_117 : memref<10000x128xf32, #tpu.memory_space<hbm>>) dst(%arg10 : memref<80x128xf32, #tpu.memory_space<vmem>>)
      "tpu.region"() ({
        %run_scoped3A = tpu.sem_alloc : memref<!tpu.dma_semaphore, #tpu.memory_space<semaphore_mem>>
        %dma_start3A_119 = arith.constant 0 : i32
        %dma_start3A_120 = arith.constant 0 : i32
        %dma_start3A_121 = tpu.memref_slice %arg11[%dma_start3A_119, %dma_start3A_120] : memref<10240x128xf32, #tpu.memory_space<vmem_shared>> -> memref<10240x128xf32, #tpu.memory_space<vmem_shared>>
        tpu.enqueue_indirect_dma source(%arg10 : memref<80x128xf32, #tpu.memory_space<vmem>>) target(%dma_start3A_121 : memref<10240x128xf32, #tpu.memory_space<vmem_shared>>) offsets(%arg9 : memref<80xi32, #tpu.memory_space<vmem>>) semaphore(%run_scoped3A : memref<!tpu.dma_semaphore, #tpu.memory_space<semaphore_mem>>) {add = true}
        %dma_wait3A_122 = arith.constant 0 : i32
        %dma_wait3A_123 = arith.constant 0 : i32
        %dma_wait3A_124 = tpu.memref_slice %arg11[%dma_wait3A_122, %dma_wait3A_123] : memref<10240x128xf32, #tpu.memory_space<vmem_shared>> -> memref<10240x128xf32, #tpu.memory_space<vmem_shared>>
        tpu.wait_indirect_dma semaphore(%run_scoped3A : memref<!tpu.dma_semaphore, #tpu.memory_space<semaphore_mem>>) src(%arg10 : memref<80x128xf32, #tpu.memory_space<vmem>>) dst(%dma_wait3A_124 : memref<10240x128xf32, #tpu.memory_space<vmem_shared>>)
        tpu.yield
      }) : () -> ()
      %scan3A_118 = arith.constant 0 : i32
      scf.yield %scan3A_118 : i32
    }
    %scan3A_62 = arith.constant 250 : i32
    %barrier3A_63 = arith.constant 0 : index
    tpu.barrier barrier_id(%barrier3A_63)
    %lt3A_64 = arith.constant 15 : i32
    %lt3A_65 = arith.cmpi slt, %arg1, %lt3A_64 : i32
    %convert_element_type3A_66 = arith.extui %lt3A_65 : i1 to i32
    %cond3A_67 = arith.constant 0 : i32
    %cond3A_68 = arith.cmpi ne, %convert_element_type3A_66, %cond3A_67 : i32
    scf.if %cond3A_68 {
      %mul3A_101 = arith.constant 640 : i32
      %mul3A_102 = arith.muli %arg1, %mul3A_101 : i32
      %mul3A_103 = arith.constant 640 : i32
      %mul3A_104 = arith.muli %arg1, %mul3A_103 : i32
      "tpu.region"() ({
        %run_scoped3A = tpu.sem_alloc : memref<!tpu.dma_semaphore, #tpu.memory_space<semaphore_mem>>
        %dma_start3A = arith.constant 0 : i32
        %dma_start3A_105 = arith.constant 0 : i32
        %dma_start3A_106 = tpu.memref_slice %arg7[%add3A_50, %dma_start3A, %dma_start3A_105] : memref<8x10000x128xf32, #tpu.memory_space<hbm>> -> memref<1x10000x128xf32, #tpu.memory_space<hbm>>
        %dma_start3A_107 = tpu.memref_squeeze %dma_start3A_106 : memref<1x10000x128xf32, #tpu.memory_space<hbm>> -> memref<10000x128xf32, #tpu.memory_space<hbm>>
        %dma_start3A_108 = arith.constant 0 : i32
        %dma_start3A_109 = tpu.memref_slice %dma_start3A_107[%mul3A_104, %dma_start3A_108] : memref<10000x128xf32, #tpu.memory_space<hbm>> -> memref<640x128xf32, #tpu.memory_space<hbm>>
        %dma_start3A_110 = arith.constant 0 : i32
        %dma_start3A_111 = tpu.memref_slice %arg11[%mul3A_102, %dma_start3A_110] : memref<10240x128xf32, #tpu.memory_space<vmem_shared>> -> memref<640x128xf32, #tpu.memory_space<vmem_shared>>
        tpu.enqueue_dma source(%dma_start3A_111 : memref<640x128xf32, #tpu.memory_space<vmem_shared>>) target(%dma_start3A_109 : memref<640x128xf32, #tpu.memory_space<hbm>>) target_semaphore(%run_scoped3A : memref<!tpu.dma_semaphore, #tpu.memory_space<semaphore_mem>>)
        %dma_wait3A = arith.constant 0 : i32
        %dma_wait3A_112 = arith.constant 0 : i32
        %dma_wait3A_113 = tpu.memref_slice %arg7[%add3A_50, %dma_wait3A, %dma_wait3A_112] : memref<8x10000x128xf32, #tpu.memory_space<hbm>> -> memref<1x10000x128xf32, #tpu.memory_space<hbm>>
        %dma_wait3A_114 = tpu.memref_squeeze %dma_wait3A_113 : memref<1x10000x128xf32, #tpu.memory_space<hbm>> -> memref<10000x128xf32, #tpu.memory_space<hbm>>
        %dma_wait3A_115 = arith.constant 0 : i32
        %dma_wait3A_116 = tpu.memref_slice %dma_wait3A_114[%mul3A_104, %dma_wait3A_115] : memref<10000x128xf32, #tpu.memory_space<hbm>> -> memref<640x128xf32, #tpu.memory_space<hbm>>
        %dma_wait3A_117 = arith.constant 0 : i32
        %dma_wait3A_118 = tpu.memref_slice %arg11[%mul3A_102, %dma_wait3A_117] : memref<10240x128xf32, #tpu.memory_space<vmem_shared>> -> memref<640x128xf32, #tpu.memory_space<vmem_shared>>
        tpu.wait_dma2 semaphore(%run_scoped3A : memref<!tpu.dma_semaphore, #tpu.memory_space<semaphore_mem>>) src(%dma_wait3A_118 : memref<640x128xf32, #tpu.memory_space<vmem_shared>>) dst(%dma_wait3A_116 : memref<640x128xf32, #tpu.memory_space<hbm>>)
        tpu.yield
      }) : () -> ()
    } else {
    }
    %eq3A_69 = arith.constant 15 : i32
    %eq3A_70 = arith.cmpi eq, %arg1, %eq3A_69 : i32
    %convert_element_type3A_71 = arith.extui %eq3A_70 : i1 to i32
    %cond3A_72 = arith.constant 0 : i32
    %cond3A_73 = arith.cmpi ne, %convert_element_type3A_71, %cond3A_72 : i32
    scf.if %cond3A_73 {
      "tpu.region"() ({
        %run_scoped3A = tpu.sem_alloc : memref<!tpu.dma_semaphore, #tpu.memory_space<semaphore_mem>>
        %dma_start3A = arith.constant 0 : i32
        %dma_start3A_101 = arith.constant 0 : i32
        %dma_start3A_102 = tpu.memref_slice %arg7[%add3A_50, %dma_start3A, %dma_start3A_101] : memref<8x10000x128xf32, #tpu.memory_space<hbm>> -> memref<1x10000x128xf32, #tpu.memory_space<hbm>>
        %dma_start3A_103 = tpu.memref_squeeze %dma_start3A_102 : memref<1x10000x128xf32, #tpu.memory_space<hbm>> -> memref<10000x128xf32, #tpu.memory_space<hbm>>
        %dma_start3A_104 = arith.constant 9600 : i32
        %dma_start3A_105 = arith.constant 0 : i32
        %dma_start3A_106 = tpu.memref_slice %dma_start3A_103[%dma_start3A_104, %dma_start3A_105] : memref<10000x128xf32, #tpu.memory_space<hbm>> -> memref<400x128xf32, #tpu.memory_space<hbm>>
        %dma_start3A_107 = arith.constant 9600 : i32
        %dma_start3A_108 = arith.constant 0 : i32
        %dma_start3A_109 = tpu.memref_slice %arg11[%dma_start3A_107, %dma_start3A_108] : memref<10240x128xf32, #tpu.memory_space<vmem_shared>> -> memref<400x128xf32, #tpu.memory_space<vmem_shared>>
        tpu.enqueue_dma source(%dma_start3A_109 : memref<400x128xf32, #tpu.memory_space<vmem_shared>>) target(%dma_start3A_106 : memref<400x128xf32, #tpu.memory_space<hbm>>) target_semaphore(%run_scoped3A : memref<!tpu.dma_semaphore, #tpu.memory_space<semaphore_mem>>)
        %dma_wait3A = arith.constant 0 : i32
        %dma_wait3A_110 = arith.constant 0 : i32
        %dma_wait3A_111 = tpu.memref_slice %arg7[%add3A_50, %dma_wait3A, %dma_wait3A_110] : memref<8x10000x128xf32, #tpu.memory_space<hbm>> -> memref<1x10000x128xf32, #tpu.memory_space<hbm>>
        %dma_wait3A_112 = tpu.memref_squeeze %dma_wait3A_111 : memref<1x10000x128xf32, #tpu.memory_space<hbm>> -> memref<10000x128xf32, #tpu.memory_space<hbm>>
        %dma_wait3A_113 = arith.constant 9600 : i32
        %dma_wait3A_114 = arith.constant 0 : i32
        %dma_wait3A_115 = tpu.memref_slice %dma_wait3A_112[%dma_wait3A_113, %dma_wait3A_114] : memref<10000x128xf32, #tpu.memory_space<hbm>> -> memref<400x128xf32, #tpu.memory_space<hbm>>
        %dma_wait3A_116 = arith.constant 9600 : i32
        %dma_wait3A_117 = arith.constant 0 : i32
        %dma_wait3A_118 = tpu.memref_slice %arg11[%dma_wait3A_116, %dma_wait3A_117] : memref<10240x128xf32, #tpu.memory_space<vmem_shared>> -> memref<400x128xf32, #tpu.memory_space<vmem_shared>>
        tpu.wait_dma2 semaphore(%run_scoped3A : memref<!tpu.dma_semaphore, #tpu.memory_space<semaphore_mem>>) src(%dma_wait3A_118 : memref<400x128xf32, #tpu.memory_space<vmem_shared>>) dst(%dma_wait3A_115 : memref<400x128xf32, #tpu.memory_space<hbm>>)
        tpu.yield
      }) : () -> ()
    } else {
    }
    %mul3A_74 = arith.constant 4 : i32
    %mul3A_75 = arith.muli %arg0, %mul3A_74 : i32
    %add3A_76 = arith.constant 3 : i32
    %add3A_77 = arith.addi %mul3A_75, %add3A_76 : i32
    %mul3A_78 = arith.constant 20000 : i32
    %mul3A_79 = arith.muli %arg1, %mul3A_78 : i32
    %mul3A_80 = arith.constant 640 : i32
    %mul3A_81 = arith.muli %arg1, %mul3A_80 : i32
    "tpu.region"() ({
      %run_scoped3A = tpu.sem_alloc : memref<!tpu.dma_semaphore, #tpu.memory_space<semaphore_mem>>
      %dma_start3A = arith.constant 0 : i32
      %dma_start3A_101 = tpu.memref_slice %arg11[%mul3A_81, %dma_start3A] : memref<10240x128xf32, #tpu.memory_space<vmem_shared>> -> memref<640x128xf32, #tpu.memory_space<vmem_shared>>
      tpu.enqueue_dma source(%arg5 : memref<640x128xf32, #tpu.memory_space<hbm>>) target(%dma_start3A_101 : memref<640x128xf32, #tpu.memory_space<vmem_shared>>) target_semaphore(%run_scoped3A : memref<!tpu.dma_semaphore, #tpu.memory_space<semaphore_mem>>)
      %dma_wait3A = arith.constant 0 : i32
      %dma_wait3A_102 = tpu.memref_slice %arg11[%mul3A_81, %dma_wait3A] : memref<10240x128xf32, #tpu.memory_space<vmem_shared>> -> memref<640x128xf32, #tpu.memory_space<vmem_shared>>
      tpu.wait_dma2 semaphore(%run_scoped3A : memref<!tpu.dma_semaphore, #tpu.memory_space<semaphore_mem>>) src(%arg5 : memref<640x128xf32, #tpu.memory_space<hbm>>) dst(%dma_wait3A_102 : memref<640x128xf32, #tpu.memory_space<vmem_shared>>)
      tpu.yield
    }) : () -> ()
    %barrier3A_82 = arith.constant 0 : index
    tpu.barrier barrier_id(%barrier3A_82)
    %scan3A_83 = arith.constant 0 : i32
    %scan3A_84 = arith.constant 0 : i32
    %scan3A_85 = arith.constant 250 : i32
    %scan3A_86 = arith.addi %scan3A_84, %scan3A_85 : i32
    %scan3A_87 = arith.constant 1 : i32
    %scan3A_88 = scf.for %scan3A_101 = %scan3A_84 to %scan3A_86 step %scan3A_87 iter_args(%scan3A_102 = %scan3A_83) -> (i32)  : i32 {
      %mul3A_103 = arith.constant 80 : i32
      %mul3A_104 = arith.muli %scan3A_101, %mul3A_103 : i32
      %add3A_105 = arith.addi %mul3A_79, %mul3A_104 : i32
      "tpu.region"() ({
        %run_scoped3A = tpu.sem_alloc : memref<!tpu.dma_semaphore, #tpu.memory_space<semaphore_mem>>
        %dma_start3A_119 = tpu.memref_slice %arg3[%add3A_105] : memref<320000xi32, #tpu.memory_space<hbm>> -> memref<80xi32, #tpu.memory_space<hbm>>
        %dma_start3A_120 = tpu.memref_slice %arg3[%add3A_105] : memref<320000xi32, #tpu.memory_space<hbm>> -> memref<80xi32, #tpu.memory_space<hbm>>
        tpu.enqueue_dma source(%dma_start3A_120 : memref<80xi32, #tpu.memory_space<hbm>>) target(%arg8 : memref<80xi32, #tpu.memory_space<vmem>>) target_semaphore(%run_scoped3A : memref<!tpu.dma_semaphore, #tpu.memory_space<semaphore_mem>>)
        %dma_wait3A_121 = tpu.memref_slice %arg3[%add3A_105] : memref<320000xi32, #tpu.memory_space<hbm>> -> memref<80xi32, #tpu.memory_space<hbm>>
        %dma_wait3A_122 = tpu.memref_slice %arg3[%add3A_105] : memref<320000xi32, #tpu.memory_space<hbm>> -> memref<80xi32, #tpu.memory_space<hbm>>
        tpu.wait_dma2 semaphore(%run_scoped3A : memref<!tpu.dma_semaphore, #tpu.memory_space<semaphore_mem>>) src(%dma_wait3A_122 : memref<80xi32, #tpu.memory_space<hbm>>) dst(%arg8 : memref<80xi32, #tpu.memory_space<vmem>>)
        tpu.yield
      }) : () -> ()
      "tpu.region"() ({
        %run_scoped3A = tpu.sem_alloc : memref<!tpu.dma_semaphore, #tpu.memory_space<semaphore_mem>>
        %dma_start3A_119 = tpu.memref_slice %arg4[%add3A_105] : memref<320000xi32, #tpu.memory_space<hbm>> -> memref<80xi32, #tpu.memory_space<hbm>>
        %dma_start3A_120 = tpu.memref_slice %arg4[%add3A_105] : memref<320000xi32, #tpu.memory_space<hbm>> -> memref<80xi32, #tpu.memory_space<hbm>>
        tpu.enqueue_dma source(%dma_start3A_120 : memref<80xi32, #tpu.memory_space<hbm>>) target(%arg9 : memref<80xi32, #tpu.memory_space<vmem>>) target_semaphore(%run_scoped3A : memref<!tpu.dma_semaphore, #tpu.memory_space<semaphore_mem>>)
        %dma_wait3A_121 = tpu.memref_slice %arg4[%add3A_105] : memref<320000xi32, #tpu.memory_space<hbm>> -> memref<80xi32, #tpu.memory_space<hbm>>
        %dma_wait3A_122 = tpu.memref_slice %arg4[%add3A_105] : memref<320000xi32, #tpu.memory_space<hbm>> -> memref<80xi32, #tpu.memory_space<hbm>>
        tpu.wait_dma2 semaphore(%run_scoped3A : memref<!tpu.dma_semaphore, #tpu.memory_space<semaphore_mem>>) src(%dma_wait3A_122 : memref<80xi32, #tpu.memory_space<hbm>>) dst(%arg9 : memref<80xi32, #tpu.memory_space<vmem>>)
        tpu.yield
      }) : () -> ()
      %dma_start3A = arith.constant 0 : i32
      %dma_start3A_106 = arith.constant 0 : i32
      %dma_start3A_107 = tpu.memref_slice %arg2[%add3A_77, %dma_start3A, %dma_start3A_106] : memref<8x10000x128xf32, #tpu.memory_space<hbm>> -> memref<1x10000x128xf32, #tpu.memory_space<hbm>>
      %dma_start3A_108 = tpu.memref_squeeze %dma_start3A_107 : memref<1x10000x128xf32, #tpu.memory_space<hbm>> -> memref<10000x128xf32, #tpu.memory_space<hbm>>
      %dma_start3A_109 = arith.constant 0 : i32
      %dma_start3A_110 = arith.constant 0 : i32
      %dma_start3A_111 = tpu.memref_slice %dma_start3A_108[%dma_start3A_109, %dma_start3A_110] : memref<10000x128xf32, #tpu.memory_space<hbm>> -> memref<10000x128xf32, #tpu.memory_space<hbm>>
      tpu.enqueue_indirect_dma source(%dma_start3A_111 : memref<10000x128xf32, #tpu.memory_space<hbm>>) target(%arg10 : memref<80x128xf32, #tpu.memory_space<vmem>>) offsets(%arg8 : memref<80xi32, #tpu.memory_space<vmem>>) semaphore(%arg12 : memref<!tpu.dma_semaphore, #tpu.memory_space<semaphore_mem>>)
      %dma_wait3A = arith.constant 0 : i32
      %dma_wait3A_112 = arith.constant 0 : i32
      %dma_wait3A_113 = tpu.memref_slice %arg2[%add3A_77, %dma_wait3A, %dma_wait3A_112] : memref<8x10000x128xf32, #tpu.memory_space<hbm>> -> memref<1x10000x128xf32, #tpu.memory_space<hbm>>
      %dma_wait3A_114 = tpu.memref_squeeze %dma_wait3A_113 : memref<1x10000x128xf32, #tpu.memory_space<hbm>> -> memref<10000x128xf32, #tpu.memory_space<hbm>>
      %dma_wait3A_115 = arith.constant 0 : i32
      %dma_wait3A_116 = arith.constant 0 : i32
      %dma_wait3A_117 = tpu.memref_slice %dma_wait3A_114[%dma_wait3A_115, %dma_wait3A_116] : memref<10000x128xf32, #tpu.memory_space<hbm>> -> memref<10000x128xf32, #tpu.memory_space<hbm>>
      tpu.wait_indirect_dma semaphore(%arg12 : memref<!tpu.dma_semaphore, #tpu.memory_space<semaphore_mem>>) src(%dma_wait3A_117 : memref<10000x128xf32, #tpu.memory_space<hbm>>) dst(%arg10 : memref<80x128xf32, #tpu.memory_space<vmem>>)
      "tpu.region"() ({
        %run_scoped3A = tpu.sem_alloc : memref<!tpu.dma_semaphore, #tpu.memory_space<semaphore_mem>>
        %dma_start3A_119 = arith.constant 0 : i32
        %dma_start3A_120 = arith.constant 0 : i32
        %dma_start3A_121 = tpu.memref_slice %arg11[%dma_start3A_119, %dma_start3A_120] : memref<10240x128xf32, #tpu.memory_space<vmem_shared>> -> memref<10240x128xf32, #tpu.memory_space<vmem_shared>>
        tpu.enqueue_indirect_dma source(%arg10 : memref<80x128xf32, #tpu.memory_space<vmem>>) target(%dma_start3A_121 : memref<10240x128xf32, #tpu.memory_space<vmem_shared>>) offsets(%arg9 : memref<80xi32, #tpu.memory_space<vmem>>) semaphore(%run_scoped3A : memref<!tpu.dma_semaphore, #tpu.memory_space<semaphore_mem>>) {add = true}
        %dma_wait3A_122 = arith.constant 0 : i32
        %dma_wait3A_123 = arith.constant 0 : i32
        %dma_wait3A_124 = tpu.memref_slice %arg11[%dma_wait3A_122, %dma_wait3A_123] : memref<10240x128xf32, #tpu.memory_space<vmem_shared>> -> memref<10240x128xf32, #tpu.memory_space<vmem_shared>>
        tpu.wait_indirect_dma semaphore(%run_scoped3A : memref<!tpu.dma_semaphore, #tpu.memory_space<semaphore_mem>>) src(%arg10 : memref<80x128xf32, #tpu.memory_space<vmem>>) dst(%dma_wait3A_124 : memref<10240x128xf32, #tpu.memory_space<vmem_shared>>)
        tpu.yield
      }) : () -> ()
      %scan3A_118 = arith.constant 0 : i32
      scf.yield %scan3A_118 : i32
    }
    %scan3A_89 = arith.constant 250 : i32
    %barrier3A_90 = arith.constant 0 : index
    tpu.barrier barrier_id(%barrier3A_90)
    %lt3A_91 = arith.constant 15 : i32
    %lt3A_92 = arith.cmpi slt, %arg1, %lt3A_91 : i32
    %convert_element_type3A_93 = arith.extui %lt3A_92 : i1 to i32
    %cond3A_94 = arith.constant 0 : i32
    %cond3A_95 = arith.cmpi ne, %convert_element_type3A_93, %cond3A_94 : i32
    scf.if %cond3A_95 {
      %mul3A_101 = arith.constant 640 : i32
      %mul3A_102 = arith.muli %arg1, %mul3A_101 : i32
      %mul3A_103 = arith.constant 640 : i32
      %mul3A_104 = arith.muli %arg1, %mul3A_103 : i32
      "tpu.region"() ({
        %run_scoped3A = tpu.sem_alloc : memref<!tpu.dma_semaphore, #tpu.memory_space<semaphore_mem>>
        %dma_start3A = arith.constant 0 : i32
        %dma_start3A_105 = arith.constant 0 : i32
        %dma_start3A_106 = tpu.memref_slice %arg7[%add3A_77, %dma_start3A, %dma_start3A_105] : memref<8x10000x128xf32, #tpu.memory_space<hbm>> -> memref<1x10000x128xf32, #tpu.memory_space<hbm>>
        %dma_start3A_107 = tpu.memref_squeeze %dma_start3A_106 : memref<1x10000x128xf32, #tpu.memory_space<hbm>> -> memref<10000x128xf32, #tpu.memory_space<hbm>>
        %dma_start3A_108 = arith.constant 0 : i32
        %dma_start3A_109 = tpu.memref_slice %dma_start3A_107[%mul3A_104, %dma_start3A_108] : memref<10000x128xf32, #tpu.memory_space<hbm>> -> memref<640x128xf32, #tpu.memory_space<hbm>>
        %dma_start3A_110 = arith.constant 0 : i32
        %dma_start3A_111 = tpu.memref_slice %arg11[%mul3A_102, %dma_start3A_110] : memref<10240x128xf32, #tpu.memory_space<vmem_shared>> -> memref<640x128xf32, #tpu.memory_space<vmem_shared>>
        tpu.enqueue_dma source(%dma_start3A_111 : memref<640x128xf32, #tpu.memory_space<vmem_shared>>) target(%dma_start3A_109 : memref<640x128xf32, #tpu.memory_space<hbm>>) target_semaphore(%run_scoped3A : memref<!tpu.dma_semaphore, #tpu.memory_space<semaphore_mem>>)
        %dma_wait3A = arith.constant 0 : i32
        %dma_wait3A_112 = arith.constant 0 : i32
        %dma_wait3A_113 = tpu.memref_slice %arg7[%add3A_77, %dma_wait3A, %dma_wait3A_112] : memref<8x10000x128xf32, #tpu.memory_space<hbm>> -> memref<1x10000x128xf32, #tpu.memory_space<hbm>>
        %dma_wait3A_114 = tpu.memref_squeeze %dma_wait3A_113 : memref<1x10000x128xf32, #tpu.memory_space<hbm>> -> memref<10000x128xf32, #tpu.memory_space<hbm>>
        %dma_wait3A_115 = arith.constant 0 : i32
        %dma_wait3A_116 = tpu.memref_slice %dma_wait3A_114[%mul3A_104, %dma_wait3A_115] : memref<10000x128xf32, #tpu.memory_space<hbm>> -> memref<640x128xf32, #tpu.memory_space<hbm>>
        %dma_wait3A_117 = arith.constant 0 : i32
        %dma_wait3A_118 = tpu.memref_slice %arg11[%mul3A_102, %dma_wait3A_117] : memref<10240x128xf32, #tpu.memory_space<vmem_shared>> -> memref<640x128xf32, #tpu.memory_space<vmem_shared>>
        tpu.wait_dma2 semaphore(%run_scoped3A : memref<!tpu.dma_semaphore, #tpu.memory_space<semaphore_mem>>) src(%dma_wait3A_118 : memref<640x128xf32, #tpu.memory_space<vmem_shared>>) dst(%dma_wait3A_116 : memref<640x128xf32, #tpu.memory_space<hbm>>)
        tpu.yield
      }) : () -> ()
    } else {
    }
    %eq3A_96 = arith.constant 15 : i32
    %eq3A_97 = arith.cmpi eq, %arg1, %eq3A_96 : i32
    %convert_element_type3A_98 = arith.extui %eq3A_97 : i1 to i32
    %cond3A_99 = arith.constant 0 : i32
    %cond3A_100 = arith.cmpi ne, %convert_element_type3A_98, %cond3A_99 : i32
    scf.if %cond3A_100 {
      "tpu.region"() ({
        %run_scoped3A = tpu.sem_alloc : memref<!tpu.dma_semaphore, #tpu.memory_space<semaphore_mem>>
        %dma_start3A = arith.constant 0 : i32
        %dma_start3A_101 = arith.constant 0 : i32
        %dma_start3A_102 = tpu.memref_slice %arg7[%add3A_77, %dma_start3A, %dma_start3A_101] : memref<8x10000x128xf32, #tpu.memory_space<hbm>> -> memref<1x10000x128xf32, #tpu.memory_space<hbm>>
        %dma_start3A_103 = tpu.memref_squeeze %dma_start3A_102 : memref<1x10000x128xf32, #tpu.memory_space<hbm>> -> memref<10000x128xf32, #tpu.memory_space<hbm>>
        %dma_start3A_104 = arith.constant 9600 : i32
        %dma_start3A_105 = arith.constant 0 : i32
        %dma_start3A_106 = tpu.memref_slice %dma_start3A_103[%dma_start3A_104, %dma_start3A_105] : memref<10000x128xf32, #tpu.memory_space<hbm>> -> memref<400x128xf32, #tpu.memory_space<hbm>>
        %dma_start3A_107 = arith.constant 9600 : i32
        %dma_start3A_108 = arith.constant 0 : i32
        %dma_start3A_109 = tpu.memref_slice %arg11[%dma_start3A_107, %dma_start3A_108] : memref<10240x128xf32, #tpu.memory_space<vmem_shared>> -> memref<400x128xf32, #tpu.memory_space<vmem_shared>>
        tpu.enqueue_dma source(%dma_start3A_109 : memref<400x128xf32, #tpu.memory_space<vmem_shared>>) target(%dma_start3A_106 : memref<400x128xf32, #tpu.memory_space<hbm>>) target_semaphore(%run_scoped3A : memref<!tpu.dma_semaphore, #tpu.memory_space<semaphore_mem>>)
        %dma_wait3A = arith.constant 0 : i32
        %dma_wait3A_110 = arith.constant 0 : i32
        %dma_wait3A_111 = tpu.memref_slice %arg7[%add3A_77, %dma_wait3A, %dma_wait3A_110] : memref<8x10000x128xf32, #tpu.memory_space<hbm>> -> memref<1x10000x128xf32, #tpu.memory_space<hbm>>
        %dma_wait3A_112 = tpu.memref_squeeze %dma_wait3A_111 : memref<1x10000x128xf32, #tpu.memory_space<hbm>> -> memref<10000x128xf32, #tpu.memory_space<hbm>>
        %dma_wait3A_113 = arith.constant 9600 : i32
        %dma_wait3A_114 = arith.constant 0 : i32
        %dma_wait3A_115 = tpu.memref_slice %dma_wait3A_112[%dma_wait3A_113, %dma_wait3A_114] : memref<10000x128xf32, #tpu.memory_space<hbm>> -> memref<400x128xf32, #tpu.memory_space<hbm>>
        %dma_wait3A_116 = arith.constant 9600 : i32
        %dma_wait3A_117 = arith.constant 0 : i32
        %dma_wait3A_118 = tpu.memref_slice %arg11[%dma_wait3A_116, %dma_wait3A_117] : memref<10240x128xf32, #tpu.memory_space<vmem_shared>> -> memref<400x128xf32, #tpu.memory_space<vmem_shared>>
        tpu.wait_dma2 semaphore(%run_scoped3A : memref<!tpu.dma_semaphore, #tpu.memory_space<semaphore_mem>>) src(%dma_wait3A_118 : memref<400x128xf32, #tpu.memory_space<vmem_shared>>) dst(%dma_wait3A_115 : memref<400x128xf32, #tpu.memory_space<hbm>>)
        tpu.yield
      }) : () -> ()
    } else {
    }
    return
  }
}

#map = affine_map<(d0, d1) -> (0, 0, 0)>
#map1 = affine_map<(d0, d1) -> (0)>
#map2 = affine_map<(d0, d1) -> (0, 0)>
module attributes {stable_mosaic.version = 14 : i64} {
  func.func @body(%arg0: i32, %arg1: i32, %arg2: memref<1x10000x128xf32, #tpu.memory_space<hbm>>, %arg3: memref<320000xi32, #tpu.memory_space<hbm>>, %arg4: memref<320000xi32, #tpu.memory_space<hbm>>, %arg5: memref<640x128xf32, #tpu.memory_space<hbm>>, %arg6: memref<10240xf32, #tpu.memory_space<hbm>>, %arg7: memref<2x10000x128xf32, #tpu.memory_space<hbm>>, %arg8: memref<32x10240xf32, #tpu.memory_space<hbm>>, %arg9: memref<80xi32, #tpu.memory_space<vmem>>, %arg10: memref<80xi32, #tpu.memory_space<vmem>>, %arg11: memref<80x128xf32, #tpu.memory_space<vmem>>, %arg12: memref<10240xf32, #tpu.memory_space<vmem>>, %arg13: memref<10240x128xf32, #tpu.memory_space<vmem_shared>>, %arg14: memref<!tpu.dma_semaphore, #tpu.memory_space<semaphore_mem>>) attributes {dimension_semantics = [#tpu.dimension_semantics<core_parallel>, #tpu.dimension_semantics<subcore_parallel>], iteration_bounds = array<i64: 2, 16>, scalar_prefetch = 0 : i64, scratch_operands = 6 : i64, tpu.core_type = #tpu.core_type<sc_vector_subcore>, window_params = [{transform_indices = #map}, {transform_indices = #map1}, {transform_indices = #map1}, {transform_indices = #map2}, {transform_indices = #map1}, {transform_indices = #map}, {transform_indices = #map2}]} {
    "tpu.region"() ({
      %run_scoped3A = tpu.sem_alloc : memref<!tpu.dma_semaphore, #tpu.memory_space<semaphore_mem>>
      tpu.enqueue_dma source(%arg6 : memref<10240xf32, #tpu.memory_space<hbm>>) target(%arg12 : memref<10240xf32, #tpu.memory_space<vmem>>) target_semaphore(%run_scoped3A : memref<!tpu.dma_semaphore, #tpu.memory_space<semaphore_mem>>)
      tpu.wait_dma2 semaphore(%run_scoped3A : memref<!tpu.dma_semaphore, #tpu.memory_space<semaphore_mem>>) src(%arg6 : memref<10240xf32, #tpu.memory_space<hbm>>) dst(%arg12 : memref<10240xf32, #tpu.memory_space<vmem>>)
      tpu.yield
    }) : () -> ()
    %broadcast_in_dim3A = arith.constant 1.000000e+00 : f32
    %broadcast_in_dim3A_0 = vector.broadcast %broadcast_in_dim3A : f32 to vector<16xf32>
    %mul3A = arith.constant 160000 : i32
    %mul3A_1 = arith.muli %arg0, %mul3A : i32
    %mul3A_2 = arith.constant 10000 : i32
    %mul3A_3 = arith.muli %arg1, %mul3A_2 : i32
    %add3A = arith.addi %mul3A_1, %mul3A_3 : i32
    %mul3A_4 = arith.constant 640 : i32
    %mul3A_5 = arith.muli %arg1, %mul3A_4 : i32
    "tpu.region"() ({
      %run_scoped3A = tpu.sem_alloc : memref<!tpu.dma_semaphore, #tpu.memory_space<semaphore_mem>>
      %dma_start3A = arith.constant 0 : i32
      %dma_start3A_22 = tpu.memref_slice %arg13[%mul3A_5, %dma_start3A] : memref<10240x128xf32, #tpu.memory_space<vmem_shared>> -> memref<640x128xf32, #tpu.memory_space<vmem_shared>>
      tpu.enqueue_dma source(%arg5 : memref<640x128xf32, #tpu.memory_space<hbm>>) target(%dma_start3A_22 : memref<640x128xf32, #tpu.memory_space<vmem_shared>>) target_semaphore(%run_scoped3A : memref<!tpu.dma_semaphore, #tpu.memory_space<semaphore_mem>>)
      %dma_wait3A = arith.constant 0 : i32
      %dma_wait3A_23 = tpu.memref_slice %arg13[%mul3A_5, %dma_wait3A] : memref<10240x128xf32, #tpu.memory_space<vmem_shared>> -> memref<640x128xf32, #tpu.memory_space<vmem_shared>>
      tpu.wait_dma2 semaphore(%run_scoped3A : memref<!tpu.dma_semaphore, #tpu.memory_space<semaphore_mem>>) src(%arg5 : memref<640x128xf32, #tpu.memory_space<hbm>>) dst(%dma_wait3A_23 : memref<640x128xf32, #tpu.memory_space<vmem_shared>>)
      tpu.yield
    }) : () -> ()
    %barrier3A = arith.constant 0 : index
    tpu.barrier barrier_id(%barrier3A)
    %scan3A = arith.constant 0 : i32
    %scan3A_6 = arith.constant 0 : i32
    %scan3A_7 = arith.constant 125 : i32
    %scan3A_8 = arith.addi %scan3A_6, %scan3A_7 : i32
    %scan3A_9 = arith.constant 1 : i32
    %scan3A_10 = scf.for %scan3A_22 = %scan3A_6 to %scan3A_8 step %scan3A_9 iter_args(%scan3A_23 = %scan3A) -> (i32)  : i32 {
      %mul3A_24 = arith.constant 80 : i32
      %mul3A_25 = arith.muli %scan3A_22, %mul3A_24 : i32
      %add3A_26 = arith.addi %add3A, %mul3A_25 : i32
      "tpu.region"() ({
        %run_scoped3A = tpu.sem_alloc : memref<!tpu.dma_semaphore, #tpu.memory_space<semaphore_mem>>
        %dma_start3A_51 = tpu.memref_slice %arg3[%add3A_26] : memref<320000xi32, #tpu.memory_space<hbm>> -> memref<80xi32, #tpu.memory_space<hbm>>
        %dma_start3A_52 = tpu.memref_slice %arg3[%add3A_26] : memref<320000xi32, #tpu.memory_space<hbm>> -> memref<80xi32, #tpu.memory_space<hbm>>
        tpu.enqueue_dma source(%dma_start3A_52 : memref<80xi32, #tpu.memory_space<hbm>>) target(%arg9 : memref<80xi32, #tpu.memory_space<vmem>>) target_semaphore(%run_scoped3A : memref<!tpu.dma_semaphore, #tpu.memory_space<semaphore_mem>>)
        %dma_wait3A_53 = tpu.memref_slice %arg3[%add3A_26] : memref<320000xi32, #tpu.memory_space<hbm>> -> memref<80xi32, #tpu.memory_space<hbm>>
        %dma_wait3A_54 = tpu.memref_slice %arg3[%add3A_26] : memref<320000xi32, #tpu.memory_space<hbm>> -> memref<80xi32, #tpu.memory_space<hbm>>
        tpu.wait_dma2 semaphore(%run_scoped3A : memref<!tpu.dma_semaphore, #tpu.memory_space<semaphore_mem>>) src(%dma_wait3A_54 : memref<80xi32, #tpu.memory_space<hbm>>) dst(%arg9 : memref<80xi32, #tpu.memory_space<vmem>>)
        tpu.yield
      }) : () -> ()
      "tpu.region"() ({
        %run_scoped3A = tpu.sem_alloc : memref<!tpu.dma_semaphore, #tpu.memory_space<semaphore_mem>>
        %dma_start3A_51 = tpu.memref_slice %arg4[%add3A_26] : memref<320000xi32, #tpu.memory_space<hbm>> -> memref<80xi32, #tpu.memory_space<hbm>>
        %dma_start3A_52 = tpu.memref_slice %arg4[%add3A_26] : memref<320000xi32, #tpu.memory_space<hbm>> -> memref<80xi32, #tpu.memory_space<hbm>>
        tpu.enqueue_dma source(%dma_start3A_52 : memref<80xi32, #tpu.memory_space<hbm>>) target(%arg10 : memref<80xi32, #tpu.memory_space<vmem>>) target_semaphore(%run_scoped3A : memref<!tpu.dma_semaphore, #tpu.memory_space<semaphore_mem>>)
        %dma_wait3A_53 = tpu.memref_slice %arg4[%add3A_26] : memref<320000xi32, #tpu.memory_space<hbm>> -> memref<80xi32, #tpu.memory_space<hbm>>
        %dma_wait3A_54 = tpu.memref_slice %arg4[%add3A_26] : memref<320000xi32, #tpu.memory_space<hbm>> -> memref<80xi32, #tpu.memory_space<hbm>>
        tpu.wait_dma2 semaphore(%run_scoped3A : memref<!tpu.dma_semaphore, #tpu.memory_space<semaphore_mem>>) src(%dma_wait3A_54 : memref<80xi32, #tpu.memory_space<hbm>>) dst(%arg10 : memref<80xi32, #tpu.memory_space<vmem>>)
        tpu.yield
      }) : () -> ()
      %dma_start3A = arith.constant 0 : i32
      %dma_start3A_27 = arith.constant 0 : i32
      %dma_start3A_28 = arith.constant 0 : i32
      %dma_start3A_29 = tpu.memref_slice %arg2[%dma_start3A, %dma_start3A_27, %dma_start3A_28] : memref<1x10000x128xf32, #tpu.memory_space<hbm>> -> memref<1x10000x128xf32, #tpu.memory_space<hbm>>
      %dma_start3A_30 = tpu.memref_squeeze %dma_start3A_29 : memref<1x10000x128xf32, #tpu.memory_space<hbm>> -> memref<10000x128xf32, #tpu.memory_space<hbm>>
      %dma_start3A_31 = arith.constant 0 : i32
      %dma_start3A_32 = arith.constant 0 : i32
      %dma_start3A_33 = tpu.memref_slice %dma_start3A_30[%dma_start3A_31, %dma_start3A_32] : memref<10000x128xf32, #tpu.memory_space<hbm>> -> memref<10000x128xf32, #tpu.memory_space<hbm>>
      tpu.enqueue_indirect_dma source(%dma_start3A_33 : memref<10000x128xf32, #tpu.memory_space<hbm>>) target(%arg11 : memref<80x128xf32, #tpu.memory_space<vmem>>) offsets(%arg9 : memref<80xi32, #tpu.memory_space<vmem>>) semaphore(%arg14 : memref<!tpu.dma_semaphore, #tpu.memory_space<semaphore_mem>>)
      %dma_wait3A = arith.constant 0 : i32
      %dma_wait3A_34 = arith.constant 0 : i32
      %dma_wait3A_35 = arith.constant 0 : i32
      %dma_wait3A_36 = tpu.memref_slice %arg2[%dma_wait3A, %dma_wait3A_34, %dma_wait3A_35] : memref<1x10000x128xf32, #tpu.memory_space<hbm>> -> memref<1x10000x128xf32, #tpu.memory_space<hbm>>
      %dma_wait3A_37 = tpu.memref_squeeze %dma_wait3A_36 : memref<1x10000x128xf32, #tpu.memory_space<hbm>> -> memref<10000x128xf32, #tpu.memory_space<hbm>>
      %dma_wait3A_38 = arith.constant 0 : i32
      %dma_wait3A_39 = arith.constant 0 : i32
      %dma_wait3A_40 = tpu.memref_slice %dma_wait3A_37[%dma_wait3A_38, %dma_wait3A_39] : memref<10000x128xf32, #tpu.memory_space<hbm>> -> memref<10000x128xf32, #tpu.memory_space<hbm>>
      tpu.wait_indirect_dma semaphore(%arg14 : memref<!tpu.dma_semaphore, #tpu.memory_space<semaphore_mem>>) src(%dma_wait3A_40 : memref<10000x128xf32, #tpu.memory_space<hbm>>) dst(%arg11 : memref<80x128xf32, #tpu.memory_space<vmem>>)
      "tpu.region"() ({
        %run_scoped3A = tpu.sem_alloc : memref<!tpu.dma_semaphore, #tpu.memory_space<semaphore_mem>>
        %dma_start3A_51 = arith.constant 0 : i32
        %dma_start3A_52 = arith.constant 0 : i32
        %dma_start3A_53 = tpu.memref_slice %arg13[%dma_start3A_51, %dma_start3A_52] : memref<10240x128xf32, #tpu.memory_space<vmem_shared>> -> memref<10240x128xf32, #tpu.memory_space<vmem_shared>>
        tpu.enqueue_indirect_dma source(%arg11 : memref<80x128xf32, #tpu.memory_space<vmem>>) target(%dma_start3A_53 : memref<10240x128xf32, #tpu.memory_space<vmem_shared>>) offsets(%arg10 : memref<80xi32, #tpu.memory_space<vmem>>) semaphore(%run_scoped3A : memref<!tpu.dma_semaphore, #tpu.memory_space<semaphore_mem>>) {add = true}
        %dma_wait3A_54 = arith.constant 0 : i32
        %dma_wait3A_55 = arith.constant 0 : i32
        %dma_wait3A_56 = tpu.memref_slice %arg13[%dma_wait3A_54, %dma_wait3A_55] : memref<10240x128xf32, #tpu.memory_space<vmem_shared>> -> memref<10240x128xf32, #tpu.memory_space<vmem_shared>>
        tpu.wait_indirect_dma semaphore(%run_scoped3A : memref<!tpu.dma_semaphore, #tpu.memory_space<semaphore_mem>>) src(%arg11 : memref<80x128xf32, #tpu.memory_space<vmem>>) dst(%dma_wait3A_56 : memref<10240x128xf32, #tpu.memory_space<vmem_shared>>)
        tpu.yield
      }) : () -> ()
      %get3A = arith.constant 0 : index
      %get3A_41 = tpu.vector_load %arg10[%get3A] {strides = array<i32>} : memref<80xi32, #tpu.memory_space<vmem>>, vector<16xi32>,
      tpu.vector_store_idx %arg12[%get3A_41], %broadcast_in_dim3A_0 {add = true} : memref<10240xf32, #tpu.memory_space<vmem>>[vector<16xi32>], vector<16xf32>,
      %get3A_42 = arith.constant 16 : index
      %get3A_43 = tpu.vector_load %arg10[%get3A_42] {strides = array<i32>} : memref<80xi32, #tpu.memory_space<vmem>>, vector<16xi32>,
      tpu.vector_store_idx %arg12[%get3A_43], %broadcast_in_dim3A_0 {add = true} : memref<10240xf32, #tpu.memory_space<vmem>>[vector<16xi32>], vector<16xf32>,
      %get3A_44 = arith.constant 32 : index
      %get3A_45 = tpu.vector_load %arg10[%get3A_44] {strides = array<i32>} : memref<80xi32, #tpu.memory_space<vmem>>, vector<16xi32>,
      tpu.vector_store_idx %arg12[%get3A_45], %broadcast_in_dim3A_0 {add = true} : memref<10240xf32, #tpu.memory_space<vmem>>[vector<16xi32>], vector<16xf32>,
      %get3A_46 = arith.constant 48 : index
      %get3A_47 = tpu.vector_load %arg10[%get3A_46] {strides = array<i32>} : memref<80xi32, #tpu.memory_space<vmem>>, vector<16xi32>,
      tpu.vector_store_idx %arg12[%get3A_47], %broadcast_in_dim3A_0 {add = true} : memref<10240xf32, #tpu.memory_space<vmem>>[vector<16xi32>], vector<16xf32>,
      %get3A_48 = arith.constant 64 : index
      %get3A_49 = tpu.vector_load %arg10[%get3A_48] {strides = array<i32>} : memref<80xi32, #tpu.memory_space<vmem>>, vector<16xi32>,
      tpu.vector_store_idx %arg12[%get3A_49], %broadcast_in_dim3A_0 {add = true} : memref<10240xf32, #tpu.memory_space<vmem>>[vector<16xi32>], vector<16xf32>,
      %scan3A_50 = arith.constant 0 : i32
      scf.yield %scan3A_50 : i32
    }
    %scan3A_11 = arith.constant 125 : i32
    %barrier3A_12 = arith.constant 0 : index
    tpu.barrier barrier_id(%barrier3A_12)
    %lt3A = arith.constant 15 : i32
    %lt3A_13 = arith.cmpi slt, %arg1, %lt3A : i32
    %convert_element_type3A = arith.extui %lt3A_13 : i1 to i32
    %cond3A = arith.constant 0 : i32
    %cond3A_14 = arith.cmpi ne, %convert_element_type3A, %cond3A : i32
    scf.if %cond3A_14 {
      %mul3A_22 = arith.constant 640 : i32
      %mul3A_23 = arith.muli %arg1, %mul3A_22 : i32
      %mul3A_24 = arith.constant 640 : i32
      %mul3A_25 = arith.muli %arg1, %mul3A_24 : i32
      "tpu.region"() ({
        %run_scoped3A = tpu.sem_alloc : memref<!tpu.dma_semaphore, #tpu.memory_space<semaphore_mem>>
        %dma_start3A = arith.constant 0 : i32
        %dma_start3A_26 = arith.constant 0 : i32
        %dma_start3A_27 = tpu.memref_slice %arg7[%arg0, %dma_start3A, %dma_start3A_26] : memref<2x10000x128xf32, #tpu.memory_space<hbm>> -> memref<1x10000x128xf32, #tpu.memory_space<hbm>>
        %dma_start3A_28 = tpu.memref_squeeze %dma_start3A_27 : memref<1x10000x128xf32, #tpu.memory_space<hbm>> -> memref<10000x128xf32, #tpu.memory_space<hbm>>
        %dma_start3A_29 = arith.constant 0 : i32
        %dma_start3A_30 = tpu.memref_slice %dma_start3A_28[%mul3A_25, %dma_start3A_29] : memref<10000x128xf32, #tpu.memory_space<hbm>> -> memref<640x128xf32, #tpu.memory_space<hbm>>
        %dma_start3A_31 = arith.constant 0 : i32
        %dma_start3A_32 = tpu.memref_slice %arg13[%mul3A_23, %dma_start3A_31] : memref<10240x128xf32, #tpu.memory_space<vmem_shared>> -> memref<640x128xf32, #tpu.memory_space<vmem_shared>>
        tpu.enqueue_dma source(%dma_start3A_32 : memref<640x128xf32, #tpu.memory_space<vmem_shared>>) target(%dma_start3A_30 : memref<640x128xf32, #tpu.memory_space<hbm>>) target_semaphore(%run_scoped3A : memref<!tpu.dma_semaphore, #tpu.memory_space<semaphore_mem>>)
        %dma_wait3A = arith.constant 0 : i32
        %dma_wait3A_33 = arith.constant 0 : i32
        %dma_wait3A_34 = tpu.memref_slice %arg7[%arg0, %dma_wait3A, %dma_wait3A_33] : memref<2x10000x128xf32, #tpu.memory_space<hbm>> -> memref<1x10000x128xf32, #tpu.memory_space<hbm>>
        %dma_wait3A_35 = tpu.memref_squeeze %dma_wait3A_34 : memref<1x10000x128xf32, #tpu.memory_space<hbm>> -> memref<10000x128xf32, #tpu.memory_space<hbm>>
        %dma_wait3A_36 = arith.constant 0 : i32
        %dma_wait3A_37 = tpu.memref_slice %dma_wait3A_35[%mul3A_25, %dma_wait3A_36] : memref<10000x128xf32, #tpu.memory_space<hbm>> -> memref<640x128xf32, #tpu.memory_space<hbm>>
        %dma_wait3A_38 = arith.constant 0 : i32
        %dma_wait3A_39 = tpu.memref_slice %arg13[%mul3A_23, %dma_wait3A_38] : memref<10240x128xf32, #tpu.memory_space<vmem_shared>> -> memref<640x128xf32, #tpu.memory_space<vmem_shared>>
        tpu.wait_dma2 semaphore(%run_scoped3A : memref<!tpu.dma_semaphore, #tpu.memory_space<semaphore_mem>>) src(%dma_wait3A_39 : memref<640x128xf32, #tpu.memory_space<vmem_shared>>) dst(%dma_wait3A_37 : memref<640x128xf32, #tpu.memory_space<hbm>>)
        tpu.yield
      }) : () -> ()
    } else {
    }
    %eq3A = arith.constant 15 : i32
    %eq3A_15 = arith.cmpi eq, %arg1, %eq3A : i32
    %convert_element_type3A_16 = arith.extui %eq3A_15 : i1 to i32
    %cond3A_17 = arith.constant 0 : i32
    %cond3A_18 = arith.cmpi ne, %convert_element_type3A_16, %cond3A_17 : i32
    scf.if %cond3A_18 {
      "tpu.region"() ({
        %run_scoped3A = tpu.sem_alloc : memref<!tpu.dma_semaphore, #tpu.memory_space<semaphore_mem>>
        %dma_start3A = arith.constant 0 : i32
        %dma_start3A_22 = arith.constant 0 : i32
        %dma_start3A_23 = tpu.memref_slice %arg7[%arg0, %dma_start3A, %dma_start3A_22] : memref<2x10000x128xf32, #tpu.memory_space<hbm>> -> memref<1x10000x128xf32, #tpu.memory_space<hbm>>
        %dma_start3A_24 = tpu.memref_squeeze %dma_start3A_23 : memref<1x10000x128xf32, #tpu.memory_space<hbm>> -> memref<10000x128xf32, #tpu.memory_space<hbm>>
        %dma_start3A_25 = arith.constant 9600 : i32
        %dma_start3A_26 = arith.constant 0 : i32
        %dma_start3A_27 = tpu.memref_slice %dma_start3A_24[%dma_start3A_25, %dma_start3A_26] : memref<10000x128xf32, #tpu.memory_space<hbm>> -> memref<400x128xf32, #tpu.memory_space<hbm>>
        %dma_start3A_28 = arith.constant 9600 : i32
        %dma_start3A_29 = arith.constant 0 : i32
        %dma_start3A_30 = tpu.memref_slice %arg13[%dma_start3A_28, %dma_start3A_29] : memref<10240x128xf32, #tpu.memory_space<vmem_shared>> -> memref<400x128xf32, #tpu.memory_space<vmem_shared>>
        tpu.enqueue_dma source(%dma_start3A_30 : memref<400x128xf32, #tpu.memory_space<vmem_shared>>) target(%dma_start3A_27 : memref<400x128xf32, #tpu.memory_space<hbm>>) target_semaphore(%run_scoped3A : memref<!tpu.dma_semaphore, #tpu.memory_space<semaphore_mem>>)
        %dma_wait3A = arith.constant 0 : i32
        %dma_wait3A_31 = arith.constant 0 : i32
        %dma_wait3A_32 = tpu.memref_slice %arg7[%arg0, %dma_wait3A, %dma_wait3A_31] : memref<2x10000x128xf32, #tpu.memory_space<hbm>> -> memref<1x10000x128xf32, #tpu.memory_space<hbm>>
        %dma_wait3A_33 = tpu.memref_squeeze %dma_wait3A_32 : memref<1x10000x128xf32, #tpu.memory_space<hbm>> -> memref<10000x128xf32, #tpu.memory_space<hbm>>
        %dma_wait3A_34 = arith.constant 9600 : i32
        %dma_wait3A_35 = arith.constant 0 : i32
        %dma_wait3A_36 = tpu.memref_slice %dma_wait3A_33[%dma_wait3A_34, %dma_wait3A_35] : memref<10000x128xf32, #tpu.memory_space<hbm>> -> memref<400x128xf32, #tpu.memory_space<hbm>>
        %dma_wait3A_37 = arith.constant 9600 : i32
        %dma_wait3A_38 = arith.constant 0 : i32
        %dma_wait3A_39 = tpu.memref_slice %arg13[%dma_wait3A_37, %dma_wait3A_38] : memref<10240x128xf32, #tpu.memory_space<vmem_shared>> -> memref<400x128xf32, #tpu.memory_space<vmem_shared>>
        tpu.wait_dma2 semaphore(%run_scoped3A : memref<!tpu.dma_semaphore, #tpu.memory_space<semaphore_mem>>) src(%dma_wait3A_39 : memref<400x128xf32, #tpu.memory_space<vmem_shared>>) dst(%dma_wait3A_36 : memref<400x128xf32, #tpu.memory_space<hbm>>)
        tpu.yield
      }) : () -> ()
    } else {
    }
    %mul3A_19 = arith.constant 16 : i32
    %mul3A_20 = arith.muli %arg0, %mul3A_19 : i32
    %add3A_21 = arith.addi %mul3A_20, %arg1 : i32
    "tpu.region"() ({
      %run_scoped3A = tpu.sem_alloc : memref<!tpu.dma_semaphore, #tpu.memory_space<semaphore_mem>>
      %dma_start3A = arith.constant 0 : i32
      %dma_start3A_22 = tpu.memref_slice %arg8[%add3A_21, %dma_start3A] : memref<32x10240xf32, #tpu.memory_space<hbm>> -> memref<1x10240xf32, #tpu.memory_space<hbm>>
      %dma_start3A_23 = tpu.memref_squeeze %dma_start3A_22 : memref<1x10240xf32, #tpu.memory_space<hbm>> -> memref<10240xf32, #tpu.memory_space<hbm>>
      %dma_start3A_24 = arith.constant 0 : i32
      %dma_start3A_25 = tpu.memref_slice %arg8[%add3A_21, %dma_start3A_24] : memref<32x10240xf32, #tpu.memory_space<hbm>> -> memref<1x10240xf32, #tpu.memory_space<hbm>>
      %dma_start3A_26 = tpu.memref_squeeze %dma_start3A_25 : memref<1x10240xf32, #tpu.memory_space<hbm>> -> memref<10240xf32, #tpu.memory_space<hbm>>
      tpu.enqueue_dma source(%arg12 : memref<10240xf32, #tpu.memory_space<vmem>>) target(%dma_start3A_26 : memref<10240xf32, #tpu.memory_space<hbm>>) target_semaphore(%run_scoped3A : memref<!tpu.dma_semaphore, #tpu.memory_space<semaphore_mem>>)
      %dma_wait3A = arith.constant 0 : i32
      %dma_wait3A_27 = tpu.memref_slice %arg8[%add3A_21, %dma_wait3A] : memref<32x10240xf32, #tpu.memory_space<hbm>> -> memref<1x10240xf32, #tpu.memory_space<hbm>>
      %dma_wait3A_28 = tpu.memref_squeeze %dma_wait3A_27 : memref<1x10240xf32, #tpu.memory_space<hbm>> -> memref<10240xf32, #tpu.memory_space<hbm>>
      %dma_wait3A_29 = arith.constant 0 : i32
      %dma_wait3A_30 = tpu.memref_slice %arg8[%add3A_21, %dma_wait3A_29] : memref<32x10240xf32, #tpu.memory_space<hbm>> -> memref<1x10240xf32, #tpu.memory_space<hbm>>
      %dma_wait3A_31 = tpu.memref_squeeze %dma_wait3A_30 : memref<1x10240xf32, #tpu.memory_space<hbm>> -> memref<10240xf32, #tpu.memory_space<hbm>>
      tpu.wait_dma2 semaphore(%run_scoped3A : memref<!tpu.dma_semaphore, #tpu.memory_space<semaphore_mem>>) src(%arg12 : memref<10240xf32, #tpu.memory_space<vmem>>) dst(%dma_wait3A_31 : memref<10240xf32, #tpu.memory_space<hbm>>)
      tpu.yield
    }) : () -> ()
    return
  }
}

module attributes {stable_mosaic.version = 14 : i64} {
  func.func @_tc_hnew_body(%arg0: i32, %arg1: memref<8x1000x128xf32, #tpu.memory_space<vmem>>, %arg2: memref<1000x128xf32, #tpu.memory_space<vmem>>, %arg3: memref<1024x128xf32, #tpu.memory_space<vmem>>) attributes {dimension_semantics = [#tpu.dimension_semantics<arbitrary>], iteration_bounds = array<i64: 10>, scalar_prefetch = 0 : i64, scratch_operands = 0 : i64, tpu.core_type = #tpu.core_type<tc>, window_params = [{transform_indices = @transform_0, window_bounds = array<i64: 8, 1000, 128>}, {transform_indices = @transform_1, window_bounds = array<i64: 1000, 128>}, {pipeline_mode = #tpu.pipeline_mode<synchronous>, transform_indices = @transform_2, window_bounds = array<i64: 1024, 128>}]} {
    %get3A = arith.constant 0 : index
    %get3A_0 = arith.constant 0 : index
    %get3A_1 = arith.constant 0 : index
    %get3A_2 = vector.load %arg1[%get3A, %get3A_0, %get3A_1] : memref<8x1000x128xf32, #tpu.memory_space<vmem>>, vector<1x1000x128xf32>
    %get3A_3 = vector.shape_cast %get3A_2 : vector<1x1000x128xf32> to vector<1000x128xf32>
    %get3A_4 = arith.constant 1 : index
    %get3A_5 = arith.constant 0 : index
    %get3A_6 = arith.constant 0 : index
    %get3A_7 = vector.load %arg1[%get3A_4, %get3A_5, %get3A_6] : memref<8x1000x128xf32, #tpu.memory_space<vmem>>, vector<1x1000x128xf32>
    %get3A_8 = vector.shape_cast %get3A_7 : vector<1x1000x128xf32> to vector<1000x128xf32>
    %get3A_9 = arith.constant 2 : index
    %get3A_10 = arith.constant 0 : index
    %get3A_11 = arith.constant 0 : index
    %get3A_12 = vector.load %arg1[%get3A_9, %get3A_10, %get3A_11] : memref<8x1000x128xf32, #tpu.memory_space<vmem>>, vector<1x1000x128xf32>
    %get3A_13 = vector.shape_cast %get3A_12 : vector<1x1000x128xf32> to vector<1000x128xf32>
    %get3A_14 = arith.constant 3 : index
    %get3A_15 = arith.constant 0 : index
    %get3A_16 = arith.constant 0 : index
    %get3A_17 = vector.load %arg1[%get3A_14, %get3A_15, %get3A_16] : memref<8x1000x128xf32, #tpu.memory_space<vmem>>, vector<1x1000x128xf32>
    %get3A_18 = vector.shape_cast %get3A_17 : vector<1x1000x128xf32> to vector<1000x128xf32>
    %get3A_19 = arith.constant 4 : index
    %get3A_20 = arith.constant 0 : index
    %get3A_21 = arith.constant 0 : index
    %get3A_22 = vector.load %arg1[%get3A_19, %get3A_20, %get3A_21] : memref<8x1000x128xf32, #tpu.memory_space<vmem>>, vector<1x1000x128xf32>
    %get3A_23 = vector.shape_cast %get3A_22 : vector<1x1000x128xf32> to vector<1000x128xf32>
    %get3A_24 = arith.constant 5 : index
    %get3A_25 = arith.constant 0 : index
    %get3A_26 = arith.constant 0 : index
    %get3A_27 = vector.load %arg1[%get3A_24, %get3A_25, %get3A_26] : memref<8x1000x128xf32, #tpu.memory_space<vmem>>, vector<1x1000x128xf32>
    %get3A_28 = vector.shape_cast %get3A_27 : vector<1x1000x128xf32> to vector<1000x128xf32>
    %get3A_29 = arith.constant 6 : index
    %get3A_30 = arith.constant 0 : index
    %get3A_31 = arith.constant 0 : index
    %get3A_32 = vector.load %arg1[%get3A_29, %get3A_30, %get3A_31] : memref<8x1000x128xf32, #tpu.memory_space<vmem>>, vector<1x1000x128xf32>
    %get3A_33 = vector.shape_cast %get3A_32 : vector<1x1000x128xf32> to vector<1000x128xf32>
    %get3A_34 = arith.constant 7 : index
    %get3A_35 = arith.constant 0 : index
    %get3A_36 = arith.constant 0 : index
    %get3A_37 = vector.load %arg1[%get3A_34, %get3A_35, %get3A_36] : memref<8x1000x128xf32, #tpu.memory_space<vmem>>, vector<1x1000x128xf32>
    %get3A_38 = vector.shape_cast %get3A_37 : vector<1x1000x128xf32> to vector<1000x128xf32>
    %concatenate3A = tpu.concatenate %get3A_3, %get3A_8, %get3A_13, %get3A_18, %get3A_23, %get3A_28, %get3A_33, %get3A_38 in 1 : vector<1000x128xf32>, vector<1000x128xf32>, vector<1000x128xf32>, vector<1000x128xf32>, vector<1000x128xf32>, vector<1000x128xf32>, vector<1000x128xf32>, vector<1000x128xf32> -> vector<1000x1024xf32>
    %get3A_39 = arith.constant 0 : index
    %get3A_40 = arith.constant 0 : index
    %get3A_41 = vector.load %arg2[%get3A_39, %get3A_40] : memref<1000x128xf32, #tpu.memory_space<vmem>>, vector<1000x128xf32>
    %dot_general3A = arith.constant dense<0.000000e+00> : vector<1024x128xf32>
    %dot_general3A_42 = tpu.matmul %concatenate3A, %get3A_41, %dot_general3A {dimension_numbers = #tpu.dot_dimension_numbers<[0], [0], [1], [1], [0, 1, 1, 1], [], []>, transpose_lhs_hint = false} : vector<1000x1024xf32>, vector<1000x128xf32>, vector<1024x128xf32> -> vector<1024x128xf32>
    %eq3A = arith.constant 0 : i32
    %eq3A_43 = arith.cmpi eq, %arg0, %eq3A : i32
    %convert_element_type3A = arith.extui %eq3A_43 : i1 to i32
    %cond3A = arith.constant 0 : i32
    %cond3A_44 = arith.cmpi ne, %convert_element_type3A, %cond3A : i32
    scf.if %cond3A_44 {
      %swap3A = arith.constant 0 : index
      %swap3A_49 = arith.constant 0 : index
      %swap3A_50 = vector.load %arg3[%swap3A, %swap3A_49] : memref<1024x128xf32, #tpu.memory_space<vmem>>, vector<1024x128xf32>
      tpu.vector_store %arg3[%swap3A, %swap3A_49], %dot_general3A_42 {strides = array<i32>} : memref<1024x128xf32, #tpu.memory_space<vmem>>, vector<1024x128xf32>,
    } else {
    }
    %gt3A = arith.constant 0 : i32
    %gt3A_45 = arith.cmpi sgt, %arg0, %gt3A : i32
    %convert_element_type3A_46 = arith.extui %gt3A_45 : i1 to i32
    %cond3A_47 = arith.constant 0 : i32
    %cond3A_48 = arith.cmpi ne, %convert_element_type3A_46, %cond3A_47 : i32
    scf.if %cond3A_48 {
      %get3A_49 = arith.constant 0 : index
      %get3A_50 = arith.constant 0 : index
      %get3A_51 = vector.load %arg3[%get3A_49, %get3A_50] : memref<1024x128xf32, #tpu.memory_space<vmem>>, vector<1024x128xf32>
      %add3A = arith.addf %get3A_51, %dot_general3A_42 : vector<1024x128xf32>
      %swap3A = arith.constant 0 : index
      %swap3A_52 = arith.constant 0 : index
      %swap3A_53 = vector.load %arg3[%swap3A, %swap3A_52] : memref<1024x128xf32, #tpu.memory_space<vmem>>, vector<1024x128xf32>
      tpu.vector_store %arg3[%swap3A, %swap3A_52], %add3A {strides = array<i32>} : memref<1024x128xf32, #tpu.memory_space<vmem>>, vector<1024x128xf32>,
    } else {
    }
    return
  }
  func.func @transform_0(%arg0: i32) -> (i32, i32, i32) {
    %c0_i32 = arith.constant 0 : i32
    %c0_i32_0 = arith.constant 0 : i32
    %c0_i32_1 = arith.constant 0 : i32
    return %c0_i32, %arg0, %c0_i32_0 : i32, i32, i32
  }
  func.func @transform_1(%arg0: i32) -> (i32, i32) {
    %c0_i32 = arith.constant 0 : i32
    %c0_i32_0 = arith.constant 0 : i32
    return %arg0, %c0_i32 : i32, i32
  }
  func.func @transform_2(%arg0: i32) -> (i32, i32) {
    %c0_i32 = arith.constant 0 : i32
    %c0_i32_0 = arith.constant 0 : i32
    %c0_i32_1 = arith.constant 0 : i32
    return %c0_i32, %c0_i32_0 : i32, i32
  }
}

module attributes {stable_mosaic.version = 14 : i64} {
  func.func @_tc_bundle_body(%arg0: i32, %arg1: memref<1000x128xf32, #tpu.memory_space<vmem>>, %arg2: memref<1000x128xf32, #tpu.memory_space<vmem>>, %arg3: memref<1000x128xf32, #tpu.memory_space<vmem>>, %arg4: memref<1000x32xf32, #tpu.memory_space<vmem>>, %arg5: memref<256x128xf32, #tpu.memory_space<vmem>>, %arg6: memref<1x128xf32, #tpu.memory_space<vmem>>, %arg7: memref<256x1024xf32, #tpu.memory_space<vmem>>, %arg8: memref<1x1024xf32, #tpu.memory_space<vmem>>, %arg9: memref<1000x128xf32, #tpu.memory_space<vmem>>, %arg10: memref<8x1000x128xf32, #tpu.memory_space<vmem>>) attributes {dimension_semantics = [#tpu.dimension_semantics<arbitrary>], iteration_bounds = array<i64: 10>, scalar_prefetch = 0 : i64, scratch_operands = 0 : i64, tpu.core_type = #tpu.core_type<tc>, window_params = [{transform_indices = @transform_0, window_bounds = array<i64: 1000, 128>}, {transform_indices = @transform_1, window_bounds = array<i64: 1000, 128>}, {transform_indices = @transform_2, window_bounds = array<i64: 1000, 128>}, {transform_indices = @transform_3, window_bounds = array<i64: 1000, 32>}, {pipeline_mode = #tpu.pipeline_mode<synchronous>, transform_indices = @transform_4, window_bounds = array<i64: 256, 128>}, {pipeline_mode = #tpu.pipeline_mode<synchronous>, transform_indices = @transform_5, window_bounds = array<i64: 1, 128>}, {pipeline_mode = #tpu.pipeline_mode<synchronous>, transform_indices = @transform_6, window_bounds = array<i64: 256, 1024>}, {pipeline_mode = #tpu.pipeline_mode<synchronous>, transform_indices = @transform_7, window_bounds = array<i64: 1, 1024>}, {transform_indices = @transform_8, window_bounds = array<i64: 1000, 128>}, {transform_indices = @transform_9, window_bounds = array<i64: 8, 1000, 128>}]} {
    %get3A = arith.constant 0 : index
    %get3A_0 = arith.constant 0 : index
    %get3A_1 = vector.load %arg2[%get3A, %get3A_0] : memref<1000x128xf32, #tpu.memory_space<vmem>>, vector<1000x128xf32>
    %get3A_2 = arith.constant 0 : index
    %get3A_3 = arith.constant 0 : index
    %get3A_4 = vector.load %arg3[%get3A_2, %get3A_3] : memref<1000x128xf32, #tpu.memory_space<vmem>>, vector<1000x128xf32>
    %add3A = arith.addf %get3A_1, %get3A_4 : vector<1000x128xf32>
    %get3A_5 = arith.constant 0 : index
    %get3A_6 = arith.constant 0 : index
    %get3A_7 = vector.load %arg4[%get3A_5, %get3A_6] : memref<1000x32xf32, #tpu.memory_space<vmem>>, vector<1000x32xf32>
    %reduce_sum3A = arith.constant dense<0.000000e+00> : vector<1000xf32>
    %reduce_sum3A_8 = vector.multi_reduction <add>, %get3A_7, %reduce_sum3A [1] : vector<1000x32xf32> to vector<1000xf32>
    %max3A = arith.constant 1.000000e+00 : f32
    %max3A_9 = vector.broadcast %max3A : f32 to vector<1000xf32>
    %max3A_10 = arith.maximumf %reduce_sum3A_8, %max3A_9 : vector<1000xf32>
    %broadcast_in_dim3A = vector.shape_cast %max3A_10 : vector<1000xf32> to vector<1000x1xf32>
    %div3A = vector.broadcast %broadcast_in_dim3A : vector<1000x1xf32> to vector<1000x128xf32>
    %div3A_11 = arith.divf %add3A, %div3A : vector<1000x128xf32>
    %get3A_12 = arith.constant 0 : index
    %get3A_13 = arith.constant 0 : index
    %get3A_14 = vector.load %arg1[%get3A_12, %get3A_13] : memref<1000x128xf32, #tpu.memory_space<vmem>>, vector<1000x128xf32>
    %get3A_15 = arith.constant 0 : index
    %get3A_16 = arith.constant 0 : index
    %get3A_17 = vector.load %arg5[%get3A_15, %get3A_16] : memref<256x128xf32, #tpu.memory_space<vmem>>, vector<128x128xf32>
    %dot_general3A = arith.constant dense<0.000000e+00> : vector<1000x128xf32>
    %dot_general3A_18 = tpu.matmul %get3A_14, %get3A_17, %dot_general3A {dimension_numbers = #tpu.dot_dimension_numbers<[1], [0], [0], [1], [0, 0, 1, 1], [], []>, transpose_lhs_hint = false} : vector<1000x128xf32>, vector<128x128xf32>, vector<1000x128xf32> -> vector<1000x128xf32>
    %get3A_19 = arith.constant 128 : index
    %get3A_20 = arith.constant 0 : index
    %get3A_21 = vector.load %arg5[%get3A_19, %get3A_20] : memref<256x128xf32, #tpu.memory_space<vmem>>, vector<128x128xf32>
    %dot_general3A_22 = arith.constant dense<0.000000e+00> : vector<1000x128xf32>
    %dot_general3A_23 = tpu.matmul %div3A_11, %get3A_21, %dot_general3A_22 {dimension_numbers = #tpu.dot_dimension_numbers<[1], [0], [0], [1], [0, 0, 1, 1], [], []>, transpose_lhs_hint = false} : vector<1000x128xf32>, vector<128x128xf32>, vector<1000x128xf32> -> vector<1000x128xf32>
    %add3A_24 = arith.addf %dot_general3A_18, %dot_general3A_23 : vector<1000x128xf32>
    %get3A_25 = arith.constant 0 : index
    %get3A_26 = arith.constant 0 : index
    %get3A_27 = vector.load %arg6[%get3A_25, %get3A_26] : memref<1x128xf32, #tpu.memory_space<vmem>>, vector<1x128xf32>
    %add3A_28 = vector.broadcast %get3A_27 : vector<1x128xf32> to vector<1000x128xf32>
    %add3A_29 = arith.addf %add3A_24, %add3A_28 : vector<1000x128xf32>
    %mul3A = arith.mulf %add3A_29, %add3A_29 : vector<1000x128xf32>
    %reduce_sum3A_30 = arith.constant dense<0.000000e+00> : vector<1000xf32>
    %reduce_sum3A_31 = vector.multi_reduction <add>, %mul3A, %reduce_sum3A_30 [1] : vector<1000x128xf32> to vector<1000xf32>
    %broadcast_in_dim3A_32 = vector.shape_cast %reduce_sum3A_31 : vector<1000xf32> to vector<1000x1xf32>
    %sqrt3A = math.sqrt %broadcast_in_dim3A_32 : vector<1000x1xf32>
    %max3A_33 = arith.constant 9.99999996E-13 : f32
    %max3A_34 = vector.broadcast %max3A_33 : f32 to vector<1000x1xf32>
    %max3A_35 = arith.maximumf %sqrt3A, %max3A_34 : vector<1000x1xf32>
    %div3A_36 = vector.broadcast %max3A_35 : vector<1000x1xf32> to vector<1000x128xf32>
    %div3A_37 = arith.divf %add3A_29, %div3A_36 : vector<1000x128xf32>
    %max3A_38 = arith.constant 0.000000e+00 : f32
    %max3A_39 = vector.broadcast %max3A_38 : f32 to vector<1000x128xf32>
    %max3A_40 = arith.maximumf %div3A_37, %max3A_39 : vector<1000x128xf32>
    %swap3A = arith.constant 0 : index
    %swap3A_41 = arith.constant 0 : index
    %swap3A_42 = vector.load %arg9[%swap3A, %swap3A_41] : memref<1000x128xf32, #tpu.memory_space<vmem>>, vector<1000x128xf32>
    tpu.vector_store %arg9[%swap3A, %swap3A_41], %max3A_40 {strides = array<i32>} : memref<1000x128xf32, #tpu.memory_space<vmem>>, vector<1000x128xf32>,
    %get3A_43 = arith.constant 0 : index
    %get3A_44 = arith.constant 0 : index
    %get3A_45 = vector.load %arg7[%get3A_43, %get3A_44] : memref<256x1024xf32, #tpu.memory_space<vmem>>, vector<128x1024xf32>
    %dot_general3A_46 = arith.constant dense<0.000000e+00> : vector<1000x1024xf32>
    %dot_general3A_47 = tpu.matmul %get3A_14, %get3A_45, %dot_general3A_46 {dimension_numbers = #tpu.dot_dimension_numbers<[1], [0], [0], [1], [0, 0, 1, 1], [], []>, transpose_lhs_hint = false} : vector<1000x128xf32>, vector<128x1024xf32>, vector<1000x1024xf32> -> vector<1000x1024xf32>
    %get3A_48 = arith.constant 128 : index
    %get3A_49 = arith.constant 0 : index
    %get3A_50 = vector.load %arg7[%get3A_48, %get3A_49] : memref<256x1024xf32, #tpu.memory_space<vmem>>, vector<128x1024xf32>
    %dot_general3A_51 = arith.constant dense<0.000000e+00> : vector<1000x1024xf32>
    %dot_general3A_52 = tpu.matmul %div3A_11, %get3A_50, %dot_general3A_51 {dimension_numbers = #tpu.dot_dimension_numbers<[1], [0], [0], [1], [0, 0, 1, 1], [], []>, transpose_lhs_hint = false} : vector<1000x128xf32>, vector<128x1024xf32>, vector<1000x1024xf32> -> vector<1000x1024xf32>
    %add3A_53 = arith.addf %dot_general3A_47, %dot_general3A_52 : vector<1000x1024xf32>
    %get3A_54 = arith.constant 0 : index
    %get3A_55 = arith.constant 0 : index
    %get3A_56 = vector.load %arg8[%get3A_54, %get3A_55] : memref<1x1024xf32, #tpu.memory_space<vmem>>, vector<1x1024xf32>
    %add3A_57 = vector.broadcast %get3A_56 : vector<1x1024xf32> to vector<1000x1024xf32>
    %add3A_58 = arith.addf %add3A_53, %add3A_57 : vector<1000x1024xf32>
    %mul3A_59 = arith.mulf %add3A_58, %add3A_58 : vector<1000x1024xf32>
    %reduce_sum3A_60 = arith.constant dense<0.000000e+00> : vector<1000xf32>
    %reduce_sum3A_61 = vector.multi_reduction <add>, %mul3A_59, %reduce_sum3A_60 [1] : vector<1000x1024xf32> to vector<1000xf32>
    %broadcast_in_dim3A_62 = vector.shape_cast %reduce_sum3A_61 : vector<1000xf32> to vector<1000x1xf32>
    %sqrt3A_63 = math.sqrt %broadcast_in_dim3A_62 : vector<1000x1xf32>
    %max3A_64 = arith.constant 9.99999996E-13 : f32
    %max3A_65 = vector.broadcast %max3A_64 : f32 to vector<1000x1xf32>
    %max3A_66 = arith.maximumf %sqrt3A_63, %max3A_65 : vector<1000x1xf32>
    %div3A_67 = vector.broadcast %max3A_66 : vector<1000x1xf32> to vector<1000x1024xf32>
    %div3A_68 = arith.divf %add3A_58, %div3A_67 : vector<1000x1024xf32>
    %max3A_69 = arith.constant 0.000000e+00 : f32
    %max3A_70 = vector.broadcast %max3A_69 : f32 to vector<1000x1024xf32>
    %max3A_71 = arith.maximumf %div3A_68, %max3A_70 : vector<1000x1024xf32>
    %iota3A = tpu.iota {dimensions = array<i32: 1>} : vector<1000x1024xi32>
    %lt3A = arith.constant 1000 : i32
    %lt3A_72 = vector.broadcast %lt3A : i32 to vector<1000x1024xi32>
    %lt3A_73 = arith.cmpi slt, %iota3A, %lt3A_72 : vector<1000x1024xi32>
    %exp3A = math.exp %max3A_71 : vector<1000x1024xf32>
    %jit3A = arith.constant 0.000000e+00 : f32
    %broadcast_in_dim3A_74 = vector.broadcast %jit3A : f32 to vector<1000x1024xf32>
    %select_n3A = arith.select %lt3A_73, %exp3A, %broadcast_in_dim3A_74 : vector<1000x1024xi1>, vector<1000x1024xf32>
    %reduce_sum3A_75 = arith.constant dense<0.000000e+00> : vector<1000xf32>
    %reduce_sum3A_76 = vector.multi_reduction <add>, %select_n3A, %reduce_sum3A_75 [1] : vector<1000x1024xf32> to vector<1000xf32>
    %broadcast_in_dim3A_77 = vector.shape_cast %reduce_sum3A_76 : vector<1000xf32> to vector<1000x1xf32>
    %div3A_78 = vector.broadcast %broadcast_in_dim3A_77 : vector<1000x1xf32> to vector<1000x1024xf32>
    %div3A_79 = arith.divf %select_n3A, %div3A_78 : vector<1000x1024xf32>
    %slice3A = vector.extract_strided_slice %div3A_79 {offsets = [0, 0], sizes = [1000, 128], strides = [1, 1]} : vector<1000x1024xf32> to vector<1000x128xf32>
    %swap3A_80 = arith.constant 0 : index
    %swap3A_81 = arith.constant 0 : index
    %swap3A_82 = arith.constant 0 : index
    %swap3A_83 = vector.load %arg10[%swap3A_80, %swap3A_81, %swap3A_82] : memref<8x1000x128xf32, #tpu.memory_space<vmem>>, vector<1x1000x128xf32>
    %swap3A_84 = vector.shape_cast %swap3A_83 : vector<1x1000x128xf32> to vector<1000x128xf32>
    %swap3A_85 = vector.shape_cast %slice3A : vector<1000x128xf32> to vector<1x1000x128xf32>
    tpu.vector_store %arg10[%swap3A_80, %swap3A_81, %swap3A_82], %swap3A_85 {strides = array<i32>} : memref<8x1000x128xf32, #tpu.memory_space<vmem>>, vector<1x1000x128xf32>,
    %slice3A_86 = vector.extract_strided_slice %div3A_79 {offsets = [0, 128], sizes = [1000, 128], strides = [1, 1]} : vector<1000x1024xf32> to vector<1000x128xf32>
    %swap3A_87 = arith.constant 1 : index
    %swap3A_88 = arith.constant 0 : index
    %swap3A_89 = arith.constant 0 : index
    %swap3A_90 = vector.load %arg10[%swap3A_87, %swap3A_88, %swap3A_89] : memref<8x1000x128xf32, #tpu.memory_space<vmem>>, vector<1x1000x128xf32>
    %swap3A_91 = vector.shape_cast %swap3A_90 : vector<1x1000x128xf32> to vector<1000x128xf32>
    %swap3A_92 = vector.shape_cast %slice3A_86 : vector<1000x128xf32> to vector<1x1000x128xf32>
    tpu.vector_store %arg10[%swap3A_87, %swap3A_88, %swap3A_89], %swap3A_92 {strides = array<i32>} : memref<8x1000x128xf32, #tpu.memory_space<vmem>>, vector<1x1000x128xf32>,
    %slice3A_93 = vector.extract_strided_slice %div3A_79 {offsets = [0, 256], sizes = [1000, 128], strides = [1, 1]} : vector<1000x1024xf32> to vector<1000x128xf32>
    %swap3A_94 = arith.constant 2 : index
    %swap3A_95 = arith.constant 0 : index
    %swap3A_96 = arith.constant 0 : index
    %swap3A_97 = vector.load %arg10[%swap3A_94, %swap3A_95, %swap3A_96] : memref<8x1000x128xf32, #tpu.memory_space<vmem>>, vector<1x1000x128xf32>
    %swap3A_98 = vector.shape_cast %swap3A_97 : vector<1x1000x128xf32> to vector<1000x128xf32>
    %swap3A_99 = vector.shape_cast %slice3A_93 : vector<1000x128xf32> to vector<1x1000x128xf32>
    tpu.vector_store %arg10[%swap3A_94, %swap3A_95, %swap3A_96], %swap3A_99 {strides = array<i32>} : memref<8x1000x128xf32, #tpu.memory_space<vmem>>, vector<1x1000x128xf32>,
    %slice3A_100 = vector.extract_strided_slice %div3A_79 {offsets = [0, 384], sizes = [1000, 128], strides = [1, 1]} : vector<1000x1024xf32> to vector<1000x128xf32>
    %swap3A_101 = arith.constant 3 : index
    %swap3A_102 = arith.constant 0 : index
    %swap3A_103 = arith.constant 0 : index
    %swap3A_104 = vector.load %arg10[%swap3A_101, %swap3A_102, %swap3A_103] : memref<8x1000x128xf32, #tpu.memory_space<vmem>>, vector<1x1000x128xf32>
    %swap3A_105 = vector.shape_cast %swap3A_104 : vector<1x1000x128xf32> to vector<1000x128xf32>
    %swap3A_106 = vector.shape_cast %slice3A_100 : vector<1000x128xf32> to vector<1x1000x128xf32>
    tpu.vector_store %arg10[%swap3A_101, %swap3A_102, %swap3A_103], %swap3A_106 {strides = array<i32>} : memref<8x1000x128xf32, #tpu.memory_space<vmem>>, vector<1x1000x128xf32>,
    %slice3A_107 = vector.extract_strided_slice %div3A_79 {offsets = [0, 512], sizes = [1000, 128], strides = [1, 1]} : vector<1000x1024xf32> to vector<1000x128xf32>
    %swap3A_108 = arith.constant 4 : index
    %swap3A_109 = arith.constant 0 : index
    %swap3A_110 = arith.constant 0 : index
    %swap3A_111 = vector.load %arg10[%swap3A_108, %swap3A_109, %swap3A_110] : memref<8x1000x128xf32, #tpu.memory_space<vmem>>, vector<1x1000x128xf32>
    %swap3A_112 = vector.shape_cast %swap3A_111 : vector<1x1000x128xf32> to vector<1000x128xf32>
    %swap3A_113 = vector.shape_cast %slice3A_107 : vector<1000x128xf32> to vector<1x1000x128xf32>
    tpu.vector_store %arg10[%swap3A_108, %swap3A_109, %swap3A_110], %swap3A_113 {strides = array<i32>} : memref<8x1000x128xf32, #tpu.memory_space<vmem>>, vector<1x1000x128xf32>,
    %slice3A_114 = vector.extract_strided_slice %div3A_79 {offsets = [0, 640], sizes = [1000, 128], strides = [1, 1]} : vector<1000x1024xf32> to vector<1000x128xf32>
    %swap3A_115 = arith.constant 5 : index
    %swap3A_116 = arith.constant 0 : index
    %swap3A_117 = arith.constant 0 : index
    %swap3A_118 = vector.load %arg10[%swap3A_115, %swap3A_116, %swap3A_117] : memref<8x1000x128xf32, #tpu.memory_space<vmem>>, vector<1x1000x128xf32>
    %swap3A_119 = vector.shape_cast %swap3A_118 : vector<1x1000x128xf32> to vector<1000x128xf32>
    %swap3A_120 = vector.shape_cast %slice3A_114 : vector<1000x128xf32> to vector<1x1000x128xf32>
    tpu.vector_store %arg10[%swap3A_115, %swap3A_116, %swap3A_117], %swap3A_120 {strides = array<i32>} : memref<8x1000x128xf32, #tpu.memory_space<vmem>>, vector<1x1000x128xf32>,
    %slice3A_121 = vector.extract_strided_slice %div3A_79 {offsets = [0, 768], sizes = [1000, 128], strides = [1, 1]} : vector<1000x1024xf32> to vector<1000x128xf32>
    %swap3A_122 = arith.constant 6 : index
    %swap3A_123 = arith.constant 0 : index
    %swap3A_124 = arith.constant 0 : index
    %swap3A_125 = vector.load %arg10[%swap3A_122, %swap3A_123, %swap3A_124] : memref<8x1000x128xf32, #tpu.memory_space<vmem>>, vector<1x1000x128xf32>
    %swap3A_126 = vector.shape_cast %swap3A_125 : vector<1x1000x128xf32> to vector<1000x128xf32>
    %swap3A_127 = vector.shape_cast %slice3A_121 : vector<1000x128xf32> to vector<1x1000x128xf32>
    tpu.vector_store %arg10[%swap3A_122, %swap3A_123, %swap3A_124], %swap3A_127 {strides = array<i32>} : memref<8x1000x128xf32, #tpu.memory_space<vmem>>, vector<1x1000x128xf32>,
    %slice3A_128 = vector.extract_strided_slice %div3A_79 {offsets = [0, 896], sizes = [1000, 128], strides = [1, 1]} : vector<1000x1024xf32> to vector<1000x128xf32>
    %swap3A_129 = arith.constant 7 : index
    %swap3A_130 = arith.constant 0 : index
    %swap3A_131 = arith.constant 0 : index
    %swap3A_132 = vector.load %arg10[%swap3A_129, %swap3A_130, %swap3A_131] : memref<8x1000x128xf32, #tpu.memory_space<vmem>>, vector<1x1000x128xf32>
    %swap3A_133 = vector.shape_cast %swap3A_132 : vector<1x1000x128xf32> to vector<1000x128xf32>
    %swap3A_134 = vector.shape_cast %slice3A_128 : vector<1000x128xf32> to vector<1x1000x128xf32>
    tpu.vector_store %arg10[%swap3A_129, %swap3A_130, %swap3A_131], %swap3A_134 {strides = array<i32>} : memref<8x1000x128xf32, #tpu.memory_space<vmem>>, vector<1x1000x128xf32>,
    return
  }
  func.func @transform_0(%arg0: i32) -> (i32, i32) {
    %c0_i32 = arith.constant 0 : i32
    %c0_i32_0 = arith.constant 0 : i32
    return %arg0, %c0_i32 : i32, i32
  }
  func.func @transform_1(%arg0: i32) -> (i32, i32) {
    %c0_i32 = arith.constant 0 : i32
    %c0_i32_0 = arith.constant 0 : i32
    return %arg0, %c0_i32 : i32, i32
  }
  func.func @transform_2(%arg0: i32) -> (i32, i32) {
    %c0_i32 = arith.constant 0 : i32
    %c0_i32_0 = arith.constant 0 : i32
    return %arg0, %c0_i32 : i32, i32
  }
  func.func @transform_3(%arg0: i32) -> (i32, i32) {
    %c0_i32 = arith.constant 0 : i32
    %c0_i32_0 = arith.constant 0 : i32
    return %arg0, %c0_i32 : i32, i32
  }
  func.func @transform_4(%arg0: i32) -> (i32, i32) {
    %c0_i32 = arith.constant 0 : i32
    %c0_i32_0 = arith.constant 0 : i32
    %c0_i32_1 = arith.constant 0 : i32
    return %c0_i32, %c0_i32_0 : i32, i32
  }
  func.func @transform_5(%arg0: i32) -> (i32, i32) {
    %c0_i32 = arith.constant 0 : i32
    %c0_i32_0 = arith.constant 0 : i32
    %c0_i32_1 = arith.constant 0 : i32
    return %c0_i32, %c0_i32_0 : i32, i32
  }
  func.func @transform_6(%arg0: i32) -> (i32, i32) {
    %c0_i32 = arith.constant 0 : i32
    %c0_i32_0 = arith.constant 0 : i32
    %c0_i32_1 = arith.constant 0 : i32
    return %c0_i32, %c0_i32_0 : i32, i32
  }
  func.func @transform_7(%arg0: i32) -> (i32, i32) {
    %c0_i32 = arith.constant 0 : i32
    %c0_i32_0 = arith.constant 0 : i32
    %c0_i32_1 = arith.constant 0 : i32
    return %c0_i32, %c0_i32_0 : i32, i32
  }
  func.func @transform_8(%arg0: i32) -> (i32, i32) {
    %c0_i32 = arith.constant 0 : i32
    %c0_i32_0 = arith.constant 0 : i32
    return %arg0, %c0_i32 : i32, i32
  }
  func.func @transform_9(%arg0: i32) -> (i32, i32, i32) {
    %c0_i32 = arith.constant 0 : i32
    %c0_i32_0 = arith.constant 0 : i32
    %c0_i32_1 = arith.constant 0 : i32
    return %c0_i32, %arg0, %c0_i32_0 : i32, i32, i32
  }
}

module attributes {stable_mosaic.version = 14 : i64} {
  func.func @_tc_adj_body(%arg0: i32, %arg1: memref<8x1000x128xf32, #tpu.memory_space<vmem>>, %arg2: memref<8x1000x128xf32, #tpu.memory_space<vmem>>, %arg3: memref<1024x1024xf32, #tpu.memory_space<vmem>>) attributes {dimension_semantics = [#tpu.dimension_semantics<arbitrary>], iteration_bounds = array<i64: 10>, scalar_prefetch = 0 : i64, scratch_operands = 0 : i64, tpu.core_type = #tpu.core_type<tc>, window_params = [{transform_indices = @transform_0, window_bounds = array<i64: 8, 1000, 128>}, {transform_indices = @transform_1, window_bounds = array<i64: 8, 1000, 128>}, {pipeline_mode = #tpu.pipeline_mode<synchronous>, transform_indices = @transform_2, window_bounds = array<i64: 1024, 1024>}]} {
    %get3A = arith.constant 0 : index
    %get3A_0 = arith.constant 0 : index
    %get3A_1 = arith.constant 0 : index
    %get3A_2 = vector.load %arg1[%get3A, %get3A_0, %get3A_1] : memref<8x1000x128xf32, #tpu.memory_space<vmem>>, vector<1x1000x128xf32>
    %get3A_3 = vector.shape_cast %get3A_2 : vector<1x1000x128xf32> to vector<1000x128xf32>
    %get3A_4 = arith.constant 1 : index
    %get3A_5 = arith.constant 0 : index
    %get3A_6 = arith.constant 0 : index
    %get3A_7 = vector.load %arg1[%get3A_4, %get3A_5, %get3A_6] : memref<8x1000x128xf32, #tpu.memory_space<vmem>>, vector<1x1000x128xf32>
    %get3A_8 = vector.shape_cast %get3A_7 : vector<1x1000x128xf32> to vector<1000x128xf32>
    %get3A_9 = arith.constant 2 : index
    %get3A_10 = arith.constant 0 : index
    %get3A_11 = arith.constant 0 : index
    %get3A_12 = vector.load %arg1[%get3A_9, %get3A_10, %get3A_11] : memref<8x1000x128xf32, #tpu.memory_space<vmem>>, vector<1x1000x128xf32>
    %get3A_13 = vector.shape_cast %get3A_12 : vector<1x1000x128xf32> to vector<1000x128xf32>
    %get3A_14 = arith.constant 3 : index
    %get3A_15 = arith.constant 0 : index
    %get3A_16 = arith.constant 0 : index
    %get3A_17 = vector.load %arg1[%get3A_14, %get3A_15, %get3A_16] : memref<8x1000x128xf32, #tpu.memory_space<vmem>>, vector<1x1000x128xf32>
    %get3A_18 = vector.shape_cast %get3A_17 : vector<1x1000x128xf32> to vector<1000x128xf32>
    %get3A_19 = arith.constant 4 : index
    %get3A_20 = arith.constant 0 : index
    %get3A_21 = arith.constant 0 : index
    %get3A_22 = vector.load %arg1[%get3A_19, %get3A_20, %get3A_21] : memref<8x1000x128xf32, #tpu.memory_space<vmem>>, vector<1x1000x128xf32>
    %get3A_23 = vector.shape_cast %get3A_22 : vector<1x1000x128xf32> to vector<1000x128xf32>
    %get3A_24 = arith.constant 5 : index
    %get3A_25 = arith.constant 0 : index
    %get3A_26 = arith.constant 0 : index
    %get3A_27 = vector.load %arg1[%get3A_24, %get3A_25, %get3A_26] : memref<8x1000x128xf32, #tpu.memory_space<vmem>>, vector<1x1000x128xf32>
    %get3A_28 = vector.shape_cast %get3A_27 : vector<1x1000x128xf32> to vector<1000x128xf32>
    %get3A_29 = arith.constant 6 : index
    %get3A_30 = arith.constant 0 : index
    %get3A_31 = arith.constant 0 : index
    %get3A_32 = vector.load %arg1[%get3A_29, %get3A_30, %get3A_31] : memref<8x1000x128xf32, #tpu.memory_space<vmem>>, vector<1x1000x128xf32>
    %get3A_33 = vector.shape_cast %get3A_32 : vector<1x1000x128xf32> to vector<1000x128xf32>
    %get3A_34 = arith.constant 7 : index
    %get3A_35 = arith.constant 0 : index
    %get3A_36 = arith.constant 0 : index
    %get3A_37 = vector.load %arg1[%get3A_34, %get3A_35, %get3A_36] : memref<8x1000x128xf32, #tpu.memory_space<vmem>>, vector<1x1000x128xf32>
    %get3A_38 = vector.shape_cast %get3A_37 : vector<1x1000x128xf32> to vector<1000x128xf32>
    %concatenate3A = tpu.concatenate %get3A_3, %get3A_8, %get3A_13, %get3A_18, %get3A_23, %get3A_28, %get3A_33, %get3A_38 in 1 : vector<1000x128xf32>, vector<1000x128xf32>, vector<1000x128xf32>, vector<1000x128xf32>, vector<1000x128xf32>, vector<1000x128xf32>, vector<1000x128xf32>, vector<1000x128xf32> -> vector<1000x1024xf32>
    %get3A_39 = arith.constant 0 : index
    %get3A_40 = arith.constant 0 : index
    %get3A_41 = arith.constant 0 : index
    %get3A_42 = vector.load %arg2[%get3A_39, %get3A_40, %get3A_41] : memref<8x1000x128xf32, #tpu.memory_space<vmem>>, vector<1x1000x128xf32>
    %get3A_43 = vector.shape_cast %get3A_42 : vector<1x1000x128xf32> to vector<1000x128xf32>
    %get3A_44 = arith.constant 1 : index
    %get3A_45 = arith.constant 0 : index
    %get3A_46 = arith.constant 0 : index
    %get3A_47 = vector.load %arg2[%get3A_44, %get3A_45, %get3A_46] : memref<8x1000x128xf32, #tpu.memory_space<vmem>>, vector<1x1000x128xf32>
    %get3A_48 = vector.shape_cast %get3A_47 : vector<1x1000x128xf32> to vector<1000x128xf32>
    %get3A_49 = arith.constant 2 : index
    %get3A_50 = arith.constant 0 : index
    %get3A_51 = arith.constant 0 : index
    %get3A_52 = vector.load %arg2[%get3A_49, %get3A_50, %get3A_51] : memref<8x1000x128xf32, #tpu.memory_space<vmem>>, vector<1x1000x128xf32>
    %get3A_53 = vector.shape_cast %get3A_52 : vector<1x1000x128xf32> to vector<1000x128xf32>
    %get3A_54 = arith.constant 3 : index
    %get3A_55 = arith.constant 0 : index
    %get3A_56 = arith.constant 0 : index
    %get3A_57 = vector.load %arg2[%get3A_54, %get3A_55, %get3A_56] : memref<8x1000x128xf32, #tpu.memory_space<vmem>>, vector<1x1000x128xf32>
    %get3A_58 = vector.shape_cast %get3A_57 : vector<1x1000x128xf32> to vector<1000x128xf32>
    %get3A_59 = arith.constant 4 : index
    %get3A_60 = arith.constant 0 : index
    %get3A_61 = arith.constant 0 : index
    %get3A_62 = vector.load %arg2[%get3A_59, %get3A_60, %get3A_61] : memref<8x1000x128xf32, #tpu.memory_space<vmem>>, vector<1x1000x128xf32>
    %get3A_63 = vector.shape_cast %get3A_62 : vector<1x1000x128xf32> to vector<1000x128xf32>
    %get3A_64 = arith.constant 5 : index
    %get3A_65 = arith.constant 0 : index
    %get3A_66 = arith.constant 0 : index
    %get3A_67 = vector.load %arg2[%get3A_64, %get3A_65, %get3A_66] : memref<8x1000x128xf32, #tpu.memory_space<vmem>>, vector<1x1000x128xf32>
    %get3A_68 = vector.shape_cast %get3A_67 : vector<1x1000x128xf32> to vector<1000x128xf32>
    %get3A_69 = arith.constant 6 : index
    %get3A_70 = arith.constant 0 : index
    %get3A_71 = arith.constant 0 : index
    %get3A_72 = vector.load %arg2[%get3A_69, %get3A_70, %get3A_71] : memref<8x1000x128xf32, #tpu.memory_space<vmem>>, vector<1x1000x128xf32>
    %get3A_73 = vector.shape_cast %get3A_72 : vector<1x1000x128xf32> to vector<1000x128xf32>
    %get3A_74 = arith.constant 7 : index
    %get3A_75 = arith.constant 0 : index
    %get3A_76 = arith.constant 0 : index
    %get3A_77 = vector.load %arg2[%get3A_74, %get3A_75, %get3A_76] : memref<8x1000x128xf32, #tpu.memory_space<vmem>>, vector<1x1000x128xf32>
    %get3A_78 = vector.shape_cast %get3A_77 : vector<1x1000x128xf32> to vector<1000x128xf32>
    %concatenate3A_79 = tpu.concatenate %get3A_43, %get3A_48, %get3A_53, %get3A_58, %get3A_63, %get3A_68, %get3A_73, %get3A_78 in 1 : vector<1000x128xf32>, vector<1000x128xf32>, vector<1000x128xf32>, vector<1000x128xf32>, vector<1000x128xf32>, vector<1000x128xf32>, vector<1000x128xf32>, vector<1000x128xf32> -> vector<1000x1024xf32>
    %dot_general3A = arith.constant dense<0.000000e+00> : vector<1024x1024xf32>
    %dot_general3A_80 = tpu.matmul %concatenate3A, %concatenate3A_79, %dot_general3A {dimension_numbers = #tpu.dot_dimension_numbers<[0], [0], [1], [1], [0, 1, 1, 1], [], []>, transpose_lhs_hint = false} : vector<1000x1024xf32>, vector<1000x1024xf32>, vector<1024x1024xf32> -> vector<1024x1024xf32>
    %eq3A = arith.constant 0 : i32
    %eq3A_81 = arith.cmpi eq, %arg0, %eq3A : i32
    %convert_element_type3A = arith.extui %eq3A_81 : i1 to i32
    %cond3A = arith.constant 0 : i32
    %cond3A_82 = arith.cmpi ne, %convert_element_type3A, %cond3A : i32
    scf.if %cond3A_82 {
      %swap3A = arith.constant 0 : index
      %swap3A_87 = arith.constant 0 : index
      %swap3A_88 = vector.load %arg3[%swap3A, %swap3A_87] : memref<1024x1024xf32, #tpu.memory_space<vmem>>, vector<1024x1024xf32>
      tpu.vector_store %arg3[%swap3A, %swap3A_87], %dot_general3A_80 {strides = array<i32>} : memref<1024x1024xf32, #tpu.memory_space<vmem>>, vector<1024x1024xf32>,
    } else {
    }
    %gt3A = arith.constant 0 : i32
    %gt3A_83 = arith.cmpi sgt, %arg0, %gt3A : i32
    %convert_element_type3A_84 = arith.extui %gt3A_83 : i1 to i32
    %cond3A_85 = arith.constant 0 : i32
    %cond3A_86 = arith.cmpi ne, %convert_element_type3A_84, %cond3A_85 : i32
    scf.if %cond3A_86 {
      %get3A_87 = arith.constant 0 : index
      %get3A_88 = arith.constant 0 : index
      %get3A_89 = vector.load %arg3[%get3A_87, %get3A_88] : memref<1024x1024xf32, #tpu.memory_space<vmem>>, vector<1024x1024xf32>
      %add3A = arith.addf %get3A_89, %dot_general3A_80 : vector<1024x1024xf32>
      %swap3A = arith.constant 0 : index
      %swap3A_90 = arith.constant 0 : index
      %swap3A_91 = vector.load %arg3[%swap3A, %swap3A_90] : memref<1024x1024xf32, #tpu.memory_space<vmem>>, vector<1024x1024xf32>
      tpu.vector_store %arg3[%swap3A, %swap3A_90], %add3A {strides = array<i32>} : memref<1024x1024xf32, #tpu.memory_space<vmem>>, vector<1024x1024xf32>,
    } else {
    }
    return
  }
  func.func @transform_0(%arg0: i32) -> (i32, i32, i32) {
    %c0_i32 = arith.constant 0 : i32
    %c0_i32_0 = arith.constant 0 : i32
    %c0_i32_1 = arith.constant 0 : i32
    return %c0_i32, %arg0, %c0_i32_0 : i32, i32, i32
  }
  func.func @transform_1(%arg0: i32) -> (i32, i32, i32) {
    %c0_i32 = arith.constant 0 : i32
    %c0_i32_0 = arith.constant 0 : i32
    %c0_i32_1 = arith.constant 0 : i32
    return %c0_i32, %arg0, %c0_i32_0 : i32, i32, i32
  }
  func.func @transform_2(%arg0: i32) -> (i32, i32) {
    %c0_i32 = arith.constant 0 : i32
    %c0_i32_0 = arith.constant 0 : i32
    %c0_i32_1 = arith.constant 0 : i32
    return %c0_i32, %c0_i32_0 : i32, i32
  }
}

</mosaic_0001>

<sc_bundles>
// kernel: kernel.10.cloned.1.call-start
scs
__scs_entry_jumppad:
0x0: {  	(pc) =	sbr.rel $0x88, $3  }
0x1: {  	(tag) =	ssettag $0x0;
	lr =	simm.s32 $0x1  }
0x2: {  	[smem:$0x3F9B] =	sst lr;
	_ =	strace $0xD0000000  }
0x3: {  	_ = 	snop  }
0x4: {  	_ = 	snop  }
0x5: {  	_ = 	snop  }
0x6: {  	_ = 	snop  }
0x7: {  	_ = 	snop  }
__scs_overlays_trampoline_lowered:
0x8: {  	[smem:$0x3FAA] =	sst s0  }
0x9: {  	[smem:$0x3FAB] =	sst s1  }
0xa: {  	[smem:$0x3FAC] =	sst s2  }
0xb: {  	[smem:$0x3FAD] =	sst s3  }
0xc: {  	[smem:$0x3FAE] =	sst s4  }
0xd: {  	[smem:$0x3FAF] =	sst s5  }
0xe: {  	[smem:$0x3FB0] =	sst s6  }
0xf: {  	[smem:$0x3FB1] =	sst s7  }
0x10: {  	[smem:$0x3FB2] =	sst s8  }
0x11: {  	[smem:$0x3FB3] =	sst s9;
	s0 =	simm.s32 @!p0 $0x0  }
0x12: {  	s1 =	sld [smem:$0x3F99];
	s0 =	simm.s32 @p0 $0x1  }
0x13: {  	[smem:$0x3FB4] =	sst s0;
	s0 =	simm.s32 @!p1 $0x0  }
0x14: {  	s2 =	sld [smem:$0x3F98];
	s0 =	simm.s32 @p1 $0x1  }
0x15: {  	[smem:$0x3FB5] =	sst s0;
	s0 =	simm.s32 @!p2 $0x0  }
0x16: {  	s3 =	sld [smem:$0x3FDB];
	s0 =	simm.s32 @p2 $0x1  }
0x17: {  	s4 =	simm.s32 $0x1BF5;
	[smem:$0x3FB7] =	sst s0  }
0x18: {  	s0 =	sld [smem:$0x3F9A];
	_ =	swait.ge [sflag:s4], $0x0  }
0x19: {  	s7 =	sld [smem:$0x3F9B]  }
0x1a: {  	s8 =	sadd.s32 $0xFFFFE003, lr  }
0x1b: {  	s9 =	sadd.s32 $0xFFFFFEF7, lr;
	s5 =	simm.s32 $0xFFFFFFFF;
	p2 =	slt.u32 s8, $0xFFFFF086  }
0x1c: {  	p1 =	slt.u32 s9, $0xF7A;
	s5 =	simm.s32 @!p2 $0x0  }
0x1d: {  	s5 =	simm.s32 @p1 $0x1;
	p0 =	seq.s32 s7, s2  }
0x1e: {  	s7 =	smul.u32 @!p0 $0xF7A, s2;
	p2 =	seq.s32 @!p0 s5, $0x0  }
0x1f: {  	s9 =	smul.u32 $0xF7A, s1;
	s8 =	simm.s32 @!p0 $0x1BF5;
	p2 =	por !p2, p0  }
0x20: {  	[sflag:s8] =	ssyncset.s32 @!p0 $0xFFFFF086;
	s6 =	sadd.s32 @!p0 s3, s7;
	s7 =	simm.s32 @!p0 $0x108  }
0x21: {  	s3 =	sadd.s32 s3, s9;
	s6 =	sadd.s32 @!p0 $0x88, s6;
	s7 =	simm.s32 @p2 $0x1082  }
0x22: {  	[simem:s7], [sflag:s8] =	dma.local @!p0 [hbm:s6], $0xF7A  }
0x23: {  	s9 =	sor.u32 $0xD0000000, s2;
	s6 =	simm.s32 $0x108;
	_ =	swait.ge @!p0 [sflag:s8], $0x0  }
0x24: {  	s3 =	sadd.s32 $0x88, s3;
	s6 =	simm.s32 @!p1 $0x1082;
	[sflag:s4] =	ssyncset.s32 $0xFFFFF086  }
0x25: {  	[simem:s6], [sflag:s4] =	dma.local [hbm:s3], $0xF7A  }
0x26: {  	[smem:$0x3F9B] =	sst s1;
	(tag) =	ssettag s2;
	_ =	strace s9  }
0x27: {  	s1 =	sld [smem:$0x3FAB]  }
0x28: {  	s2 =	sld [smem:$0x3FAC]  }
0x29: {  	s4 =	sld [smem:$0x3FAE]  }
0x2a: {  	p0 =	seq.s32 s5, $0x0;
	s5 =	sld [smem:$0x3FAF]  }
0x2b: {  	s6 =	sld [smem:$0x3FB0]  }
0x2c: {  	s7 =	sld [smem:$0x3FB1]  }
0x2d: {  	s3 =	simm.s32 $0x108;
	s8 =	sld [smem:$0x3FB2]  }
0x2e: {  	s3 =	simm.s32 @!p0 $0x1082;
	s9 =	sld [smem:$0x3FB3]  }
0x2f: {  	lr =	sadd.s32 s0, s3;
	s0 =	sld [smem:$0x3FAA]  }
0x30: {  	s3 =	sld [smem:$0x3FAD]  }
0x31: {  	[smem:$0x3FB6] =	sst s10  }
0x32: {  	s10 =	sld [smem:$0x3FB4];
	_ =	sdelay $0x3  }
0x33: {  	p0 =	seq.s32 s10, $0x1;
	s10 =	sld [smem:$0x3FB6];
	_ =	sdelay $0x3  }
0x34: {  	[smem:$0x3FB6] =	sst s10  }
0x35: {  	s10 =	sld [smem:$0x3FB5];
	_ =	sdelay $0x3  }
0x36: {  	p1 =	seq.s32 s10, $0x1;
	s10 =	sld [smem:$0x3FB6];
	_ =	sdelay $0x3  }
0x37: {  	[smem:$0x3FB6] =	sst s10  }
0x38: {  	s10 =	sld [smem:$0x3FB7]  }
0x39: {  	_ = 	snop;
	(pc) =	sbr.ind lr, $3  }
0x3a: {  	_ = 	snop  }
0x3b: {  	_ = 	snop  }
0x3c: {  	p2 =	seq.s32 s10, $0x1;
	s10 =	sld [smem:$0x3FB6]  }
0x3d: {  	_ =	shalt  }
0x3e: {  	_ =	shalt  }
0x3f: {  	_ =	shalt  }
0x40: {  	_ =	shalt  }
0x41: {  	_ =	shalt  }
0x42: {  	_ =	shalt  }
0x43: {  	_ =	shalt  }
0x44: {  	_ =	shalt  }
0x45: {  	_ =	shalt  }
0x46: {  	_ =	shalt  }
0x47: {  	_ =	shalt  }
0x48: {  	_ =	shalt  }
0x49: {  	_ =	shalt  }
0x4a: {  	_ =	shalt  }
0x4b: {  	_ =	shalt  }
0x4c: {  	_ =	shalt  }
0x4d: {  	_ =	shalt  }
0x4e: {  	_ =	shalt  }
0x4f: {  	_ =	shalt  }
0x50: {  	_ =	shalt  }
0x51: {  	_ =	shalt  }
0x52: {  	_ =	shalt  }
0x53: {  	_ =	shalt  }
0x54: {  	_ =	shalt  }
0x55: {  	_ =	shalt  }
0x56: {  	_ =	shalt  }
0x57: {  	_ =	shalt  }
0x58: {  	_ =	shalt  }
0x59: {  	_ =	shalt  }
0x5a: {  	_ =	shalt  }
0x5b: {  	_ =	shalt  }
0x5c: {  	_ =	shalt  }
0x5d: {  	_ =	shalt  }
0x5e: {  	_ =	shalt  }
0x5f: {  	_ =	shalt  }
0x60: {  	_ =	shalt  }
0x61: {  	_ =	shalt  }
0x62: {  	_ =	shalt  }
0x63: {  	_ =	shalt  }
0x64: {  	_ =	shalt  }
0x65: {  	_ =	shalt  }
0x66: {  	_ =	shalt  }
0x67: {  	_ =	shalt  }
0x68: {  	_ =	shalt  }
0x69: {  	_ =	shalt  }
0x6a: {  	_ =	shalt  }
0x6b: {  	_ =	shalt  }
0x6c: {  	_ =	shalt  }
0x6d: {  	_ =	shalt  }
0x6e: {  	_ =	shalt  }
0x6f: {  	_ =	shalt  }
0x70: {  	_ =	shalt  }
0x71: {  	_ =	shalt  }
0x72: {  	_ =	shalt  }
0x73: {  	_ =	shalt  }
0x74: {  	_ =	shalt  }
0x75: {  	_ =	shalt  }
0x76: {  	_ =	shalt  }
0x77: {  	_ =	shalt  }
0x78: {  	_ =	shalt  }
0x79: {  	_ =	shalt  }
0x7a: {  	_ =	shalt  }
0x7b: {  	_ =	shalt  }
0x7c: {  	_ =	shalt  }
0x7d: {  	_ =	shalt  }
0x7e: {  	_ =	shalt  }
0x7f: {  	_ =	shalt  }
0x80: {  	_ =	shalt  }
0x81: {  	_ =	shalt  }
0x82: {  	_ =	shalt  }
0x83: {  	_ =	shalt  }
0x84: {  	_ =	shalt  }
0x85: {  	_ =	shalt  }
0x86: {  	_ =	shalt  }
0x87: {  	_ =	shalt  }
.Lfunc_end0:
.L_simem_size_0:
called_computation.1_lowered:
.L_overlay_start_0:
0x88: {  	s2 =	sld [smem:$0x3FD9]  }
0x89: {  	s3 =	sld [smem:$0x3FFE];
	_ =	sdelay $0x1  }
0x8a: {  	s1 =	srdreg.scid  }
0x8b: {  	s0 =	sand.u32 $0x1, s1  }
0x8c: {  	s16 =	sshll.u32 s0, $0xA;
	s2 =	sadd.s32 s3, s2  }
0x8d: {  	s2 =	sadd.s32 s2, s16  }
0x8e: {  	[smem:$0x3FC2] =	sst s2  }
0x8f: {  	_ = 	snop  }
0x90: {  	(tm) =	ssettm $0x1  }
0x91: {  	s17 =	sld [smem:$0x3FFB];
	_ =	sdelay $0x3  }
0x92: {  	_ =	strace s17  }
0x93: {  	s2 =	sld [smem:$0x3FFC];
	_ =	sdelay $0x3  }
0x94: {  	_ =	strace s2  }
0x95: {  	s2 =	sld [smem:$0x3FFD];
	_ =	sdelay $0x3  }
0x96: {  	_ =	strace s2  }
0x97: {  	_ =	strace $0x8FFFFFFF  }
0x98: {  	s18 =	sld [smem:$0x3FDB];
	_ =	sdelay $0x1  }
0x99: {  	s19 =	simm.s32 $_scs_section_size  }
0x9a: {  	s4 =	simm.s32 $_size__tile_overlayer_lowered;
	s5 =	simm.s32 $_tile_overlayer_lowered  }
0x9b: {  	s22 =	simm.s32 $0x1BFF;
	s21 =	sshll.u32 s5, $0x1;
	s2 =	sadd.s32 s19, s18  }
0x9c: {  	s6 =	simm.s32 $0x0;
	s20 =	sshll.u32 s4, $0x1;
	s4 =	sadd.s32 s21, s2  }
0x9d: {  	[timem:s6], [sflag:s22] =	dma.local [hbm:s4], s20  }
0x9e: {  	_ =	swait.ge [sflag:s22], s20  }
0x9f: {  	s3 =	ssub.s32 $0x0, s20;
	[sflag:s22] =	ssyncset.done $0x0  }
0xa0: {  	[sflag:s22] =	ssyncadd.s32 s3;
	_ =	sdelay $0x1  }
0xa1: {  	s23 =	simm.s32 $0x1B8B  }
0xa2: {  	_ =	swait.ge [sflag:s23], $0x1  }
0xa3: {  	[sflag:s23] =	ssyncset.done $0x0  }
0xa4: {  	s25 =	simm.s32 $0x1B8E;
	s24 =	sld [smem:$0x3FFE];
	[sflag:s23] =	ssyncadd.s32 $0xFFFFFFFF  }
0xa5: {  	s26 =	simm.s32 $execute0_lowered;
	[smem:$0x3FD2] =	sst s25  }
0xa6: {  	s4 =	sshll.u32 s26, $0x1;
	_ =	strace $0x80000049;
	[dreg:$0x1] =	wrdreg $0xFFFFFFFF  }
0xa7: {  	s28 =	simm.s32 $_size_execute0_lowered;
	s2 =	sadd.s32 s2, s4;
	[dreg:$0x0] =	wrdreg $0x0  }
0xa8: {  	s4 =	sshll.u32 s28, $0x1;
	[dreg:$0x2] =	wrdreg s2  }
0xa9: {  	[dreg:$0x3] =	wrdreg s4  }
0xaa: {  	[dreg:$0x4] =	wrdreg $0xC0  }
0xab: {  	_ =	task [dreg:s6], $0x5FFFF  }
0xac: {  	[dreg:$0x1] =	wrdreg $0xFFFFFFFF  }
0xad: {  	[dreg:$0x0] =	wrdreg $0x60  }
0xae: {  	[dreg:$0x2] =	wrdreg s24  }
0xaf: {  	[dreg:$0x3] =	wrdreg $0x29000  }
0xb0: {  	[dreg:$0x4] =	wrdreg $0x9  }
0xb1: {  	_ =	task.clear_ibuf [dreg:s6], $0x5FFFF;
	_ =	strace $0x90000049  }
0xb2: {  	s29 =	simm.s32 $0x9;
	_ =	strace $0x8000004B  }
0xb3: {  	_ =	swait.ge [sflag:s29], $0x1  }
0xb4: {  	[sflag:s29] =	ssyncadd.s32 $0xFFFFFFFF  }
0xb5: {  	_ =	strace $0x9000004B  }
0xb6: {  	_ =	sfence  }
0xb7: {  	s30 =	sld [smem:$0x0];
	_ =	sdelay $0x2  }
0xb8: {  	s31 =	sshll.u32 s1, $0xD;
	s1 =	sshrl.u32 s1, $0x2  }
0xb9: {  	s3 =	sand.u32 $0x4000, s31;
	s1 =	sadd.s32 s1, s30  }
0xba: {  	s0 =	sor.u32 s3, s0;
	s1 =	sshll.u32 s1, $0x11  }
0xbb: {  	s0 =	sor.u32 s1, s0  }
0xbc: {  	s0 =	sadd.s32 $0x8F2B, s0  }
0xbd: {  	[sflag:s0] =	ssyncadd.remote.s32 $0x1  }
0xbe: {  	_ =	sfence.sel $0xFFFF  }
0xbf: {  	[dreg:$0x0] =	wrdreg $0xFFFFFFFF;
	(pc) =	sbr.abs _section_cstart, $3  }
0xc0: {  	[dreg:$0x1] =	wrdreg $0xFFFFFFFF  }
0xc1: {  	_ =	task.clear_ibuf [dreg:s6], $0x2FFFF;
	_ =	strace $0x9FFFFFFF  }
0xc2: {  	(tm) =	ssettm $0x7FFFFFFF  }
0xc3: {  	_ =	shalt  }
tec
execute0_lowered:
.L_overlay_start_1:
0x0: {  	(tag) =	ssettag $0x1  }
0x1: {  	s5 =	rddreg [dreg:$0x0]  }
0x2: {  	s2 =	rddreg [dreg:$0x1]  }
0x3: {  	s3 =	simm.s32 $0x0;
	s0 =	stileid.u32;
	s6 =	srdreg.scid  }
0x4: {  	s21 =	simm.s32 $0x2;
	s22 =	simm.s32 $0x80;
	s23 =	simm.s32 $0x50  }
0x5: {  	s24 =	simm.s32 $0x100;
	s25 =	simm.s32 $0x1;
	s26 =	simm.s32 $0x0  }
0x6: {  	[smem:$0x7FF] =	sst s3;
	s4 =	smul.u32 $0x9C4, s0;
	s15 =	sadd.s32 $0x3F600, s5  }
0x7: {  	s6 =	sand.u32 $0x1, s6;
	s8 =	smul.u32 $0x50000, s0;
	s16 =	sadd.s32 $0x177E00, s5  }
0x8: {  	s9 =	sshll.u32 s0, $0x6;
	s1 =	sadd.s32 $0x12C000, s2;
	p0 =	seq.s32 s0, $0xF  }
0x9: {  	_ =	strace $0x8000004A;
	s7 =	ssub.s32 $0x2, s6;
	s13 =	smul.u32 $0x9C400, s6  }
0xa: {  	s6 =	sor.u32 $0x1C02, s9;
	s9 =	smul.u32 $0x2800, s0;
	[dreg:$0x3] =	wrdreg s1  }
0xb: {  	s19 =	sadd.s32 s4, s5;
	s31 =	sshrl.u32 s7, $0x1;
	s8 =	sshrl.u32 s8, $0x2  }
0xc: {  	s4 =	sadd.s32 $0x15C00, s5;
	s17 =	ssub.s32 s7, s31;
	s5 =	sadd.s32 s8, s2  }
0xd: {  	s7 =	sadd.s32 s15, s13;
	s8 =	sadd.s32 s16, s13;
	s12 =	sadd.s32 $0x27100, s13  }
0xe: {  	s14 =	sadd.s32 $0x4E200, s13;
	s18 =	sadd.s32 $0x75300, s13;
	s11 =	sadd.s32 s15, s12  }
0xf: {  	s12 =	sadd.s32 s16, s12;
	s13 =	sadd.s32 s15, s14;
	s14 =	sadd.s32 s16, s14  }
0x10: {  	s15 =	sadd.s32 s15, s18;
	s16 =	sadd.s32 s16, s18;
	s17 =	smax.u32 s17, $0x1  }
0x11: {  	s18 =	sadd.s32 $0x1A00, s19;
	s19 =	sadd.s32 $0xB800, s19;
	s20 =	sshrl.u32 s5, $0x3  }
.LBB2_1:
0x12: {  	[spmem:s20], [sflag:s6] =	dma.local [hbm:s4], $0x2800  }
0x13: {  	_ =	swait.ge [sflag:s21], $0x2800  }
0x14: {  	[sflag:s21] =	ssyncset.done $0x0  }
0x15: {  	[sflag:s21] =	ssyncadd.s32 $0xFFFFD800  }
0x16: {  	s28 =	sadd.s32 $0x0, s19;
	[bflag:$0x0] =	sbarrier.arrive $0xFFFF  }
0x17: {  	[tilespmem:s3], [sflag:$0x2] =	stream.linear.gather [hbm4b:s28+s3], $0x50, $0x38;
	[tilespmem:$0x16900] =	vst v63  }
0x18: {  	_ =	swait.ge [sflag:s21], $0x50  }
0x19: {  	[sflag:s21] =	ssyncset.done $0x0  }
0x1a: {  	s28 =	sadd.s32 $0x0, s18;
	[sflag:s21] =	ssyncadd.s32 $0xFFFFFFB0  }
0x1b: {  	[tilespmem:s22], [sflag:$0x2] =	stream.linear.gather [hbm4b:s28+s3], $0x50, $0x38;
	[tilespmem:$0x16900] =	vst v63  }
0x1c: {  	_ =	swait.ge [sflag:s21], $0x50  }
0x1d: {  	[sflag:s21] =	ssyncset.done $0x0  }
0x1e: {  	[sflag:s21] =	ssyncadd.s32 $0xFFFFFFB0  }
0x1f: {  	[tilespmem:s24], [sflag:$0x1] =	stream.indirect.gather [hbm4b:s7+s23], $0x80, s3, s23, $0xb8;
	[tilespmem:$0x16900] =	vst v63  }
0x20: {  	_ =	swait.ge [sflag:s25], $0x2800  }
0x21: {  	[sflag:s25] =	ssyncset.done $0x0  }
0x22: {  	[sflag:s25] =	ssyncadd.s32 $0xFFFFD800  }
0x23: {  	[spmem:s2] =	stream.indirect.scatter.add.f32 [tilespmem:s24], [sflag:$0x2], $0x80, s22, s23, $0xb8;
	[tilespmem:$0x16900] =	vst v63  }
0x24: {  	_ =	swait.ge [sflag:s21], $0x2800  }
0x25: {  	s29 =	simm.s32 $0x14;
	s28 =	simm.s32 $0xA;
	[sflag:s21] =	ssyncset.done $0x0  }
.LBB2_2:
0x26: {  	s30 =	sadd.s32 s28, s19  }
0x27: {  	[sflag:s21] =	ssyncadd.s32 $0xFFFFD800;
	s31 =	smov.u32 s29;
	s0 =	sadd.s32 $0xA, s29  }
0x28: {  	[tilespmem:s3], [sflag:$0x2] =	stream.linear.gather [hbm4b:s30+s3], $0x50, $0x38;
	[tilespmem:$0x16900] =	vst v63  }
0x29: {  	p1 =	sne.s32 s29, $0x9BA;
	_ =	swait.ge [sflag:s21], $0x50  }
0x2a: {  	[sflag:s21] =	ssyncset.done $0x0  }
0x2b: {  	s29 =	sadd.s32 s28, s18;
	s28 =	smov.u32 s31;
	[sflag:s21] =	ssyncadd.s32 $0xFFFFFFB0  }
0x2c: {  	[tilespmem:s22], [sflag:$0x2] =	stream.linear.gather [hbm4b:s29+s3], $0x50, $0x38;
	[tilespmem:$0x16900] =	vst v63  }
0x2d: {  	_ =	swait.ge [sflag:s21], $0x50  }
0x2e: {  	[sflag:s21] =	ssyncset.done $0x0  }
0x2f: {  	[sflag:s21] =	ssyncadd.s32 $0xFFFFFFB0  }
0x30: {  	[tilespmem:s24], [sflag:$0x1] =	stream.indirect.gather [hbm4b:s7+s23], $0x80, s3, s23, $0xb8;
	[tilespmem:$0x16900] =	vst v63  }
0x31: {  	_ =	swait.ge [sflag:s25], $0x2800  }
.Ltmp0:
0x32: {  	[sflag:s25] =	ssyncset.done $0x0;
	(pc) =	sbr.rel @p1 .LBB2_2-.Ltmp0, $4  }
0x33: {  	[sflag:s25] =	ssyncadd.s32 $0xFFFFD800  }
0x34: {  	[spmem:s2] =	stream.indirect.scatter.add.f32 [tilespmem:s24], [sflag:$0x2], $0x80, s22, s23, $0xb8;
	[tilespmem:$0x16900] =	vst v63  }
0x35: {  	_ =	swait.ge [sflag:s21], $0x2800  }
0x36: {  	s29 =	smov.u32 s0;
	[sflag:s21] =	ssyncset.done $0x0  }
0x37: {  	s0 =	sadd.s32 s28, s19;
	[sflag:s21] =	ssyncadd.s32 $0xFFFFD800  }
0x38: {  	[tilespmem:s3], [sflag:$0x2] =	stream.linear.gather [hbm4b:s0+s3], $0x50, $0x38;
	[tilespmem:$0x16900] =	vst v63  }
0x39: {  	_ =	swait.ge [sflag:s21], $0x50  }
0x3a: {  	[sflag:s21] =	ssyncset.done $0x0  }
0x3b: {  	s10 =	sadd.s32 s28, s18;
	[sflag:s21] =	ssyncadd.s32 $0xFFFFFFB0  }
0x3c: {  	[tilespmem:s22], [sflag:$0x2] =	stream.linear.gather [hbm4b:s10+s3], $0x50, $0x38;
	[tilespmem:$0x16900] =	vst v63  }
0x3d: {  	_ =	swait.ge [sflag:s21], $0x50  }
0x3e: {  	[sflag:s21] =	ssyncset.done $0x0  }
0x3f: {  	[sflag:s21] =	ssyncadd.s32 $0xFFFFFFB0  }
0x40: {  	[tilespmem:s24], [sflag:$0x1] =	stream.indirect.gather [hbm4b:s7+s23], $0x80, s3, s23, $0xb8;
	[tilespmem:$0x16900] =	vst v63  }
0x41: {  	_ =	swait.ge [sflag:s25], $0x2800  }
0x42: {  	[sflag:s25] =	ssyncset.done $0x0  }
0x43: {  	[sflag:s25] =	ssyncadd.s32 $0xFFFFD800  }
0x44: {  	[spmem:s2] =	stream.indirect.scatter.add.f32 [tilespmem:s24], [sflag:$0x2], $0x80, s22, s23, $0xb8;
	[tilespmem:$0x16900] =	vst v63  }
0x45: {  	_ =	swait.ge [sflag:s21], $0x2800  }
0x46: {  	[sflag:s21] =	ssyncset.done $0x0  }
0x47: {  	[sflag:s21] =	ssyncadd.s32 $0xFFFFD800  }
0x48: {  	[bflag:$0x0] =	sbarrier.arrive $0xFFFF  }
0x49: {  	s1 =	rddreg [dreg:$0x3]  }
0x4a: {  	s0 =	sadd.s32 @p0 $0x25800, s8;
	s28 =	sshrl.u32 @p0 s1, $0x3  }
0x4b: {  	[hbm:s0], [sflag:s6] =	dma.local @p0 [spmem:s28], $0x1900  }
0x4c: {  	s0 =	simm.s32 @p0 $0x2  }
0x4d: {  	_ =	swait.ge @p0 [sflag:s0], $0x1900  }
0x4e: {  	[sflag:s0] =	ssyncset.done @p0 $0x0  }
0x4f: {  	s29 =	sshrl.u32 @!p0 s5, $0x3;
	[sflag:s0] =	ssyncadd.s32 @p0 $0xFFFFE700;
	s0 =	sadd.s32 @!p0 s9, s8  }
0x50: {  	[hbm:s0], [sflag:s6] =	dma.local @!p0 [spmem:s29], $0x2800  }
0x51: {  	s0 =	simm.s32 @!p0 $0x2  }
0x52: {  	_ =	swait.ge @!p0 [sflag:s0], $0x2800  }
0x53: {  	[sflag:s0] =	ssyncset.done @!p0 $0x0  }
0x54: {  	[sflag:s0] =	ssyncadd.s32 @!p0 $0xFFFFD800  }
0x55: {  	[spmem:s20], [sflag:s6] =	dma.local [hbm:s4], $0x2800  }
0x56: {  	_ =	swait.ge [sflag:s21], $0x2800  }
0x57: {  	[sflag:s21] =	ssyncset.done $0x0  }
0x58: {  	[sflag:s21] =	ssyncadd.s32 $0xFFFFD800  }
0x59: {  	s1 =	sadd.s32 $0x0, s19;
	[bflag:$0x0] =	sbarrier.arrive $0xFFFF  }
0x5a: {  	[tilespmem:s3], [sflag:$0x2] =	stream.linear.gather [hbm4b:s1+s3], $0x50, $0x38;
	[tilespmem:$0x16900] =	vst v63  }
0x5b: {  	_ =	swait.ge [sflag:s21], $0x50  }
0x5c: {  	[sflag:s21] =	ssyncset.done $0x0  }
0x5d: {  	s10 =	sadd.s32 $0x0, s18;
	[sflag:s21] =	ssyncadd.s32 $0xFFFFFFB0  }
0x5e: {  	[tilespmem:s22], [sflag:$0x2] =	stream.linear.gather [hbm4b:s10+s3], $0x50, $0x38;
	[tilespmem:$0x16900] =	vst v63  }
0x5f: {  	_ =	swait.ge [sflag:s21], $0x50  }
0x60: {  	[sflag:s21] =	ssyncset.done $0x0  }
0x61: {  	[sflag:s21] =	ssyncadd.s32 $0xFFFFFFB0  }
0x62: {  	[tilespmem:s24], [sflag:$0x1] =	stream.indirect.gather [hbm4b:s11+s23], $0x80, s3, s23, $0xb8;
	[tilespmem:$0x16900] =	vst v63  }
0x63: {  	_ =	swait.ge [sflag:s25], $0x2800  }
0x64: {  	[sflag:s25] =	ssyncset.done $0x0  }
0x65: {  	[sflag:s25] =	ssyncadd.s32 $0xFFFFD800  }
0x66: {  	[spmem:s2] =	stream.indirect.scatter.add.f32 [tilespmem:s24], [sflag:$0x2], $0x80, s22, s23, $0xb8;
	[tilespmem:$0x16900] =	vst v63  }
0x67: {  	_ =	swait.ge [sflag:s21], $0x2800  }
0x68: {  	s30 =	simm.s32 $0xA;
	s31 =	simm.s32 $0x14;
	[sflag:s21] =	ssyncset.done $0x0  }
.LBB2_4:
0x69: {  	s0 =	sadd.s32 s30, s19  }
0x6a: {  	[sflag:s21] =	ssyncadd.s32 $0xFFFFD800;
	s1 =	smov.u32 s31;
	s10 =	sadd.s32 $0xA, s31  }
0x6b: {  	[tilespmem:s3], [sflag:$0x2] =	stream.linear.gather [hbm4b:s0+s3], $0x50, $0x38;
	[tilespmem:$0x16900] =	vst v63  }
0x6c: {  	p1 =	sne.s32 s31, $0x9BA;
	_ =	swait.ge [sflag:s21], $0x50  }
0x6d: {  	[sflag:s21] =	ssyncset.done $0x0  }
0x6e: {  	s0 =	sadd.s32 s30, s18;
	s30 =	smov.u32 s1;
	[sflag:s21] =	ssyncadd.s32 $0xFFFFFFB0  }
0x6f: {  	[tilespmem:s22], [sflag:$0x2] =	stream.linear.gather [hbm4b:s0+s3], $0x50, $0x38;
	[tilespmem:$0x16900] =	vst v63  }
0x70: {  	_ =	swait.ge [sflag:s21], $0x50  }
0x71: {  	[sflag:s21] =	ssyncset.done $0x0  }
0x72: {  	[sflag:s21] =	ssyncadd.s32 $0xFFFFFFB0  }
0x73: {  	[tilespmem:s24], [sflag:$0x1] =	stream.indirect.gather [hbm4b:s11+s23], $0x80, s3, s23, $0xb8;
	[tilespmem:$0x16900] =	vst v63  }
0x74: {  	_ =	swait.ge [sflag:s25], $0x2800  }
.Ltmp1:
0x75: {  	[sflag:s25] =	ssyncset.done $0x0;
	(pc) =	sbr.rel @p1 .LBB2_4-.Ltmp1, $4  }
0x76: {  	[sflag:s25] =	ssyncadd.s32 $0xFFFFD800  }
0x77: {  	[spmem:s2] =	stream.indirect.scatter.add.f32 [tilespmem:s24], [sflag:$0x2], $0x80, s22, s23, $0xb8;
	[tilespmem:$0x16900] =	vst v63  }
0x78: {  	_ =	swait.ge [sflag:s21], $0x2800  }
0x79: {  	s31 =	smov.u32 s10;
	[sflag:s21] =	ssyncset.done $0x0  }
0x7a: {  	s0 =	sadd.s32 s30, s19;
	[sflag:s21] =	ssyncadd.s32 $0xFFFFD800  }
0x7b: {  	[tilespmem:s3], [sflag:$0x2] =	stream.linear.gather [hbm4b:s0+s3], $0x50, $0x38;
	[tilespmem:$0x16900] =	vst v63  }
0x7c: {  	_ =	swait.ge [sflag:s21], $0x50  }
0x7d: {  	[sflag:s21] =	ssyncset.done $0x0  }
0x7e: {  	s10 =	sadd.s32 s30, s18;
	[sflag:s21] =	ssyncadd.s32 $0xFFFFFFB0  }
0x7f: {  	[tilespmem:s22], [sflag:$0x2] =	stream.linear.gather [hbm4b:s10+s3], $0x50, $0x38;
	[tilespmem:$0x16900] =	vst v63  }
0x80: {  	_ =	swait.ge [sflag:s21], $0x50  }
0x81: {  	[sflag:s21] =	ssyncset.done $0x0  }
0x82: {  	[sflag:s21] =	ssyncadd.s32 $0xFFFFFFB0  }
0x83: {  	[tilespmem:s24], [sflag:$0x1] =	stream.indirect.gather [hbm4b:s11+s23], $0x80, s3, s23, $0xb8;
	[tilespmem:$0x16900] =	vst v63  }
0x84: {  	_ =	swait.ge [sflag:s25], $0x2800  }
0x85: {  	[sflag:s25] =	ssyncset.done $0x0  }
0x86: {  	[sflag:s25] =	ssyncadd.s32 $0xFFFFD800  }
0x87: {  	[spmem:s2] =	stream.indirect.scatter.add.f32 [tilespmem:s24], [sflag:$0x2], $0x80, s22, s23, $0xb8;
	[tilespmem:$0x16900] =	vst v63  }
0x88: {  	_ =	swait.ge [sflag:s21], $0x2800  }
0x89: {  	[sflag:s21] =	ssyncset.done $0x0  }
0x8a: {  	[sflag:s21] =	ssyncadd.s32 $0xFFFFD800  }
0x8b: {  	s0 =	sadd.s32 @p0 $0x25800, s12;
	[bflag:$0x0] =	sbarrier.arrive $0xFFFF  }
0x8c: {  	[hbm:s0], [sflag:s6] =	dma.local @p0 [spmem:s28], $0x1900  }
0x8d: {  	s0 =	simm.s32 @p0 $0x2  }
0x8e: {  	_ =	swait.ge @p0 [sflag:s0], $0x1900  }
0x8f: {  	[sflag:s0] =	ssyncset.done @p0 $0x0  }
0x90: {  	[sflag:s0] =	ssyncadd.s32 @p0 $0xFFFFE700;
	s0 =	sadd.s32 @!p0 s9, s12  }
0x91: {  	[hbm:s0], [sflag:s6] =	dma.local @!p0 [spmem:s29], $0x2800  }
0x92: {  	s0 =	simm.s32 @!p0 $0x2  }
0x93: {  	_ =	swait.ge @!p0 [sflag:s0], $0x2800  }
0x94: {  	[sflag:s0] =	ssyncset.done @!p0 $0x0  }
0x95: {  	[sflag:s0] =	ssyncadd.s32 @!p0 $0xFFFFD800  }
0x96: {  	[spmem:s20], [sflag:s6] =	dma.local [hbm:s4], $0x2800  }
0x97: {  	_ =	swait.ge [sflag:s21], $0x2800  }
0x98: {  	[sflag:s21] =	ssyncset.done $0x0  }
0x99: {  	[sflag:s21] =	ssyncadd.s32 $0xFFFFD800  }
0x9a: {  	s1 =	sadd.s32 $0x0, s19;
	[bflag:$0x0] =	sbarrier.arrive $0xFFFF  }
0x9b: {  	[tilespmem:s3], [sflag:$0x2] =	stream.linear.gather [hbm4b:s1+s3], $0x50, $0x38;
	[tilespmem:$0x16900] =	vst v63  }
0x9c: {  	_ =	swait.ge [sflag:s21], $0x50  }
0x9d: {  	[sflag:s21] =	ssyncset.done $0x0  }
0x9e: {  	s10 =	sadd.s32 $0x0, s18;
	[sflag:s21] =	ssyncadd.s32 $0xFFFFFFB0  }
0x9f: {  	[tilespmem:s22], [sflag:$0x2] =	stream.linear.gather [hbm4b:s10+s3], $0x50, $0x38;
	[tilespmem:$0x16900] =	vst v63  }
0xa0: {  	_ =	swait.ge [sflag:s21], $0x50  }
0xa1: {  	[sflag:s21] =	ssyncset.done $0x0  }
0xa2: {  	[sflag:s21] =	ssyncadd.s32 $0xFFFFFFB0  }
0xa3: {  	[tilespmem:s24], [sflag:$0x1] =	stream.indirect.gather [hbm4b:s13+s23], $0x80, s3, s23, $0xb8;
	[tilespmem:$0x16900] =	vst v63  }
0xa4: {  	_ =	swait.ge [sflag:s25], $0x2800  }
0xa5: {  	[sflag:s25] =	ssyncset.done $0x0  }
0xa6: {  	[sflag:s25] =	ssyncadd.s32 $0xFFFFD800  }
0xa7: {  	[spmem:s2] =	stream.indirect.scatter.add.f32 [tilespmem:s24], [sflag:$0x2], $0x80, s22, s23, $0xb8;
	[tilespmem:$0x16900] =	vst v63  }
0xa8: {  	_ =	swait.ge [sflag:s21], $0x2800  }
0xa9: {  	s30 =	simm.s32 $0xA;
	s31 =	simm.s32 $0x14;
	[sflag:s21] =	ssyncset.done $0x0  }
.LBB2_6:
0xaa: {  	s0 =	sadd.s32 s30, s19  }
0xab: {  	[sflag:s21] =	ssyncadd.s32 $0xFFFFD800;
	s1 =	smov.u32 s31;
	s10 =	sadd.s32 $0xA, s31  }
0xac: {  	[tilespmem:s3], [sflag:$0x2] =	stream.linear.gather [hbm4b:s0+s3], $0x50, $0x38;
	[tilespmem:$0x16900] =	vst v63  }
0xad: {  	p1 =	sne.s32 s31, $0x9BA;
	_ =	swait.ge [sflag:s21], $0x50  }
0xae: {  	[sflag:s21] =	ssyncset.done $0x0  }
0xaf: {  	s0 =	sadd.s32 s30, s18;
	s30 =	smov.u32 s1;
	[sflag:s21] =	ssyncadd.s32 $0xFFFFFFB0  }
0xb0: {  	[tilespmem:s22], [sflag:$0x2] =	stream.linear.gather [hbm4b:s0+s3], $0x50, $0x38;
	[tilespmem:$0x16900] =	vst v63  }
0xb1: {  	_ =	swait.ge [sflag:s21], $0x50  }
0xb2: {  	[sflag:s21] =	ssyncset.done $0x0  }
0xb3: {  	[sflag:s21] =	ssyncadd.s32 $0xFFFFFFB0  }
0xb4: {  	[tilespmem:s24], [sflag:$0x1] =	stream.indirect.gather [hbm4b:s13+s23], $0x80, s3, s23, $0xb8;
	[tilespmem:$0x16900] =	vst v63  }
0xb5: {  	_ =	swait.ge [sflag:s25], $0x2800  }
.Ltmp2:
0xb6: {  	[sflag:s25] =	ssyncset.done $0x0;
	(pc) =	sbr.rel @p1 .LBB2_6-.Ltmp2, $4  }
0xb7: {  	[sflag:s25] =	ssyncadd.s32 $0xFFFFD800  }
0xb8: {  	[spmem:s2] =	stream.indirect.scatter.add.f32 [tilespmem:s24], [sflag:$0x2], $0x80, s22, s23, $0xb8;
	[tilespmem:$0x16900] =	vst v63  }
0xb9: {  	_ =	swait.ge [sflag:s21], $0x2800  }
0xba: {  	s31 =	smov.u32 s10;
	[sflag:s21] =	ssyncset.done $0x0  }
0xbb: {  	s0 =	sadd.s32 s30, s19;
	[sflag:s21] =	ssyncadd.s32 $0xFFFFD800  }
0xbc: {  	[tilespmem:s3], [sflag:$0x2] =	stream.linear.gather [hbm4b:s0+s3], $0x50, $0x38;
	[tilespmem:$0x16900] =	vst v63  }
0xbd: {  	_ =	swait.ge [sflag:s21], $0x50  }
0xbe: {  	[sflag:s21] =	ssyncset.done $0x0  }
0xbf: {  	s10 =	sadd.s32 s30, s18;
	[sflag:s21] =	ssyncadd.s32 $0xFFFFFFB0  }
0xc0: {  	[tilespmem:s22], [sflag:$0x2] =	stream.linear.gather [hbm4b:s10+s3], $0x50, $0x38;
	[tilespmem:$0x16900] =	vst v63  }
0xc1: {  	_ =	swait.ge [sflag:s21], $0x50  }
0xc2: {  	[sflag:s21] =	ssyncset.done $0x0  }
0xc3: {  	[sflag:s21] =	ssyncadd.s32 $0xFFFFFFB0  }
0xc4: {  	[tilespmem:s24], [sflag:$0x1] =	stream.indirect.gather [hbm4b:s13+s23], $0x80, s3, s23, $0xb8;
	[tilespmem:$0x16900] =	vst v63  }
0xc5: {  	_ =	swait.ge [sflag:s25], $0x2800  }
0xc6: {  	[sflag:s25] =	ssyncset.done $0x0  }
0xc7: {  	[sflag:s25] =	ssyncadd.s32 $0xFFFFD800  }
0xc8: {  	[spmem:s2] =	stream.indirect.scatter.add.f32 [tilespmem:s24], [sflag:$0x2], $0x80, s22, s23, $0xb8;
	[tilespmem:$0x16900] =	vst v63  }
0xc9: {  	_ =	swait.ge [sflag:s21], $0x2800  }
0xca: {  	[sflag:s21] =	ssyncset.done $0x0  }
0xcb: {  	[sflag:s21] =	ssyncadd.s32 $0xFFFFD800  }
0xcc: {  	s0 =	sadd.s32 @p0 $0x25800, s14;
	[bflag:$0x0] =	sbarrier.arrive $0xFFFF  }
0xcd: {  	[hbm:s0], [sflag:s6] =	dma.local @p0 [spmem:s28], $0x1900  }
0xce: {  	s0 =	simm.s32 @p0 $0x2  }
0xcf: {  	_ =	swait.ge @p0 [sflag:s0], $0x1900  }
0xd0: {  	[sflag:s0] =	ssyncset.done @p0 $0x0  }
0xd1: {  	[sflag:s0] =	ssyncadd.s32 @p0 $0xFFFFE700;
	s0 =	sadd.s32 @!p0 s9, s14  }
0xd2: {  	[hbm:s0], [sflag:s6] =	dma.local @!p0 [spmem:s29], $0x2800  }
0xd3: {  	s0 =	simm.s32 @!p0 $0x2  }
0xd4: {  	_ =	swait.ge @!p0 [sflag:s0], $0x2800  }
0xd5: {  	[sflag:s0] =	ssyncset.done @!p0 $0x0  }
0xd6: {  	[sflag:s0] =	ssyncadd.s32 @!p0 $0xFFFFD800  }
0xd7: {  	[spmem:s20], [sflag:s6] =	dma.local [hbm:s4], $0x2800  }
0xd8: {  	_ =	swait.ge [sflag:s21], $0x2800  }
0xd9: {  	[sflag:s21] =	ssyncset.done $0x0  }
0xda: {  	[sflag:s21] =	ssyncadd.s32 $0xFFFFD800  }
0xdb: {  	s1 =	sadd.s32 $0x0, s19;
	[bflag:$0x0] =	sbarrier.arrive $0xFFFF  }
0xdc: {  	[tilespmem:s3], [sflag:$0x2] =	stream.linear.gather [hbm4b:s1+s3], $0x50, $0x38;
	[tilespmem:$0x16900] =	vst v63  }
0xdd: {  	_ =	swait.ge [sflag:s21], $0x50  }
0xde: {  	[sflag:s21] =	ssyncset.done $0x0  }
0xdf: {  	s10 =	sadd.s32 $0x0, s18;
	[sflag:s21] =	ssyncadd.s32 $0xFFFFFFB0  }
0xe0: {  	[tilespmem:s22], [sflag:$0x2] =	stream.linear.gather [hbm4b:s10+s3], $0x50, $0x38;
	[tilespmem:$0x16900] =	vst v63  }
0xe1: {  	_ =	swait.ge [sflag:s21], $0x50  }
0xe2: {  	[sflag:s21] =	ssyncset.done $0x0  }
0xe3: {  	[sflag:s21] =	ssyncadd.s32 $0xFFFFFFB0  }
0xe4: {  	[tilespmem:s24], [sflag:$0x1] =	stream.indirect.gather [hbm4b:s15+s23], $0x80, s3, s23, $0xb8;
	[tilespmem:$0x16900] =	vst v63  }
0xe5: {  	_ =	swait.ge [sflag:s25], $0x2800  }
0xe6: {  	[sflag:s25] =	ssyncset.done $0x0  }
0xe7: {  	[sflag:s25] =	ssyncadd.s32 $0xFFFFD800  }
0xe8: {  	[spmem:s2] =	stream.indirect.scatter.add.f32 [tilespmem:s24], [sflag:$0x2], $0x80, s22, s23, $0xb8;
	[tilespmem:$0x16900] =	vst v63  }
0xe9: {  	_ =	swait.ge [sflag:s21], $0x2800  }
0xea: {  	s30 =	simm.s32 $0xA;
	s31 =	simm.s32 $0x14;
	[sflag:s21] =	ssyncset.done $0x0  }
.LBB2_8:
0xeb: {  	s0 =	sadd.s32 s30, s19  }
0xec: {  	[sflag:s21] =	ssyncadd.s32 $0xFFFFD800;
	s1 =	smov.u32 s31;
	s10 =	sadd.s32 $0xA, s31  }
0xed: {  	[tilespmem:s3], [sflag:$0x2] =	stream.linear.gather [hbm4b:s0+s3], $0x50, $0x38;
	[tilespmem:$0x16900] =	vst v63  }
0xee: {  	p1 =	sne.s32 s31, $0x9BA;
	_ =	swait.ge [sflag:s21], $0x50  }
0xef: {  	[sflag:s21] =	ssyncset.done $0x0  }
0xf0: {  	s0 =	sadd.s32 s30, s18;
	s30 =	smov.u32 s1;
	[sflag:s21] =	ssyncadd.s32 $0xFFFFFFB0  }
0xf1: {  	[tilespmem:s22], [sflag:$0x2] =	stream.linear.gather [hbm4b:s0+s3], $0x50, $0x38;
	[tilespmem:$0x16900] =	vst v63  }
0xf2: {  	_ =	swait.ge [sflag:s21], $0x50  }
0xf3: {  	[sflag:s21] =	ssyncset.done $0x0  }
0xf4: {  	[sflag:s21] =	ssyncadd.s32 $0xFFFFFFB0  }
0xf5: {  	[tilespmem:s24], [sflag:$0x1] =	stream.indirect.gather [hbm4b:s15+s23], $0x80, s3, s23, $0xb8;
	[tilespmem:$0x16900] =	vst v63  }
0xf6: {  	_ =	swait.ge [sflag:s25], $0x2800  }
.Ltmp3:
0xf7: {  	[sflag:s25] =	ssyncset.done $0x0;
	(pc) =	sbr.rel @p1 .LBB2_8-.Ltmp3, $4  }
0xf8: {  	[sflag:s25] =	ssyncadd.s32 $0xFFFFD800  }
0xf9: {  	[spmem:s2] =	stream.indirect.scatter.add.f32 [tilespmem:s24], [sflag:$0x2], $0x80, s22, s23, $0xb8;
	[tilespmem:$0x16900] =	vst v63  }
0xfa: {  	_ =	swait.ge [sflag:s21], $0x2800  }
0xfb: {  	s31 =	smov.u32 s10;
	[sflag:s21] =	ssyncset.done $0x0  }
0xfc: {  	s0 =	sadd.s32 s30, s19;
	[sflag:s21] =	ssyncadd.s32 $0xFFFFD800  }
0xfd: {  	[tilespmem:s3], [sflag:$0x2] =	stream.linear.gather [hbm4b:s0+s3], $0x50, $0x38;
	[tilespmem:$0x16900] =	vst v63  }
0xfe: {  	_ =	swait.ge [sflag:s21], $0x50  }
0xff: {  	[sflag:s21] =	ssyncset.done $0x0  }
0x100: {  	s31 =	sadd.s32 s30, s18;
	[sflag:s21] =	ssyncadd.s32 $0xFFFFFFB0  }
0x101: {  	[tilespmem:s22], [sflag:$0x2] =	stream.linear.gather [hbm4b:s31+s3], $0x50, $0x38;
	[tilespmem:$0x16900] =	vst v63  }
0x102: {  	_ =	swait.ge [sflag:s21], $0x50  }
0x103: {  	[sflag:s21] =	ssyncset.done $0x0  }
0x104: {  	[sflag:s21] =	ssyncadd.s32 $0xFFFFFFB0  }
0x105: {  	[tilespmem:s24], [sflag:$0x1] =	stream.indirect.gather [hbm4b:s15+s23], $0x80, s3, s23, $0xb8;
	[tilespmem:$0x16900] =	vst v63  }
0x106: {  	_ =	swait.ge [sflag:s25], $0x2800  }
0x107: {  	[sflag:s25] =	ssyncset.done $0x0  }
0x108: {  	[sflag:s25] =	ssyncadd.s32 $0xFFFFD800  }
0x109: {  	[spmem:s2] =	stream.indirect.scatter.add.f32 [tilespmem:s24], [sflag:$0x2], $0x80, s22, s23, $0xb8;
	[tilespmem:$0x16900] =	vst v63  }
0x10a: {  	_ =	swait.ge [sflag:s21], $0x2800  }
0x10b: {  	[sflag:s21] =	ssyncset.done $0x0  }
0x10c: {  	[sflag:s21] =	ssyncadd.s32 $0xFFFFD800  }
0x10d: {  	s0 =	sadd.s32 @p0 $0x25800, s16;
	[bflag:$0x0] =	sbarrier.arrive $0xFFFF  }
0x10e: {  	[hbm:s0], [sflag:s6] =	dma.local @p0 [spmem:s28], $0x1900  }
0x10f: {  	s0 =	simm.s32 @p0 $0x2  }
0x110: {  	_ =	swait.ge @p0 [sflag:s0], $0x1900  }
0x111: {  	s26 =	sadd.s32 $0x1, s26;
	[sflag:s0] =	ssyncset.done @p0 $0x0  }
0x112: {  	p1 =	sne.s32 s26, s17;
	[sflag:s0] =	ssyncadd.s32 @p0 $0xFFFFE700;
	s0 =	sadd.s32 @!p0 s9, s16  }
0x113: {  	[hbm:s0], [sflag:s6] =	dma.local @!p0 [spmem:s29], $0x2800  }
.Ltmp4:
0x114: {  	_ = 	snop;
	(pc) =	sbr.rel @p1 .LBB2_1-.Ltmp4, $4  }
0x115: {  	s0 =	simm.s32 @!p0 $0x2  }
0x116: {  	_ =	swait.ge @!p0 [sflag:s0], $0x2800  }
0x117: {  	[sflag:s0] =	ssyncset.done @!p0 $0x0  }
0x118: {  	[sflag:s0] =	ssyncadd.s32 @!p0 $0xFFFFD800  }
0x119: {  	_ =	sfence.sel $0x180000  }
0x11a: {  	[bflag:$0x0] =	sbarrier.arrive $0xFFFF  }
0x11b: {  	_ =	strace $0x9000004A  }
0x11c: {  	s0 =	stileid.u32;
	[bflag:$0x2] =	sbarrier.arrive $0xFFFF  }
0x11d: {  	p0 =	sne.s32 s0, $0x0;
	s0 =	rddreg [dreg:$0x2]  }
0x11e: {  	s0 =	sadd.s32 @!p0 $0x100000, s0  }
0x11f: {  	[sflag:s0] =	ssyncadd.tile.s32 @!p0 $0x1;
	_ =	shalt  }
.Lfunc_end2:
_tile_overlayer_lowered:
.L_overlay_start_2:
0x120: {  	(tag) =	ssettag $0x2  }
0x121: {  	s0 =	rddreg [dreg:$0x0];
	s2 =	stileid.u32  }
0x122: {  	s1 =	rddreg [dreg:$0x1];
	p0 =	sne.s32 s2, $0x0  }
0x123: {  	s3 =	rddreg [dreg:$0x2];
	[bflag:$0x3] =	sbarrier.arrive $0xFFFF;
	s2 =	simm.s32 @!p0 $0x1C02  }
0x124: {  	[timem:s3], [sflag:s2] =	dma.local @!p0 [hbm:s0], s1  }
0x125: {  	s0 =	simm.s32 @!p0 $0x2  }
0x126: {  	_ =	swait.ge @!p0 [sflag:s0], s1  }
0x127: {  	s1 =	ssub.s32 @!p0 $0x0, s1;
	[sflag:s0] =	ssyncset.done @!p0 $0x0  }
0x128: {  	[sflag:s0] =	ssyncadd.s32 @!p0 s1  }
0x129: {  	[bflag:$0x3] =	sbarrier.arrive $0xFFFF  }
0x12a: {  	_ =	shalt  }

// kernel: kernel.7.cloned.1.call-start
scs
__scs_entry_jumppad:
0x0: {  	(pc) =	sbr.rel $0x88, $3  }
0x1: {  	(tag) =	ssettag $0x0;
	lr =	simm.s32 $0x1  }
0x2: {  	[smem:$0x3F9B] =	sst lr;
	_ =	strace $0xD0000000  }
0x3: {  	_ = 	snop  }
0x4: {  	_ = 	snop  }
0x5: {  	_ = 	snop  }
0x6: {  	_ = 	snop  }
0x7: {  	_ = 	snop  }
__scs_overlays_trampoline_lowered:
0x8: {  	[smem:$0x3FAA] =	sst s0  }
0x9: {  	[smem:$0x3FAB] =	sst s1  }
0xa: {  	[smem:$0x3FAC] =	sst s2  }
0xb: {  	[smem:$0x3FAD] =	sst s3  }
0xc: {  	[smem:$0x3FAE] =	sst s4  }
0xd: {  	[smem:$0x3FAF] =	sst s5  }
0xe: {  	[smem:$0x3FB0] =	sst s6  }
0xf: {  	[smem:$0x3FB1] =	sst s7  }
0x10: {  	[smem:$0x3FB2] =	sst s8  }
0x11: {  	[smem:$0x3FB3] =	sst s9;
	s0 =	simm.s32 @!p0 $0x0  }
0x12: {  	s1 =	sld [smem:$0x3F99];
	s0 =	simm.s32 @p0 $0x1  }
0x13: {  	[smem:$0x3FB4] =	sst s0;
	s0 =	simm.s32 @!p1 $0x0  }
0x14: {  	s2 =	sld [smem:$0x3F98];
	s0 =	simm.s32 @p1 $0x1  }
0x15: {  	[smem:$0x3FB5] =	sst s0;
	s0 =	simm.s32 @!p2 $0x0  }
0x16: {  	s3 =	sld [smem:$0x3FDB];
	s0 =	simm.s32 @p2 $0x1  }
0x17: {  	s4 =	simm.s32 $0x1BF5;
	[smem:$0x3FB7] =	sst s0  }
0x18: {  	s0 =	sld [smem:$0x3F9A];
	_ =	swait.ge [sflag:s4], $0x0  }
0x19: {  	s7 =	sld [smem:$0x3F9B]  }
0x1a: {  	s8 =	sadd.s32 $0xFFFFE003, lr  }
0x1b: {  	s9 =	sadd.s32 $0xFFFFFEF7, lr;
	s5 =	simm.s32 $0xFFFFFFFF;
	p2 =	slt.u32 s8, $0xFFFFF086  }
0x1c: {  	p1 =	slt.u32 s9, $0xF7A;
	s5 =	simm.s32 @!p2 $0x0  }
0x1d: {  	s5 =	simm.s32 @p1 $0x1;
	p0 =	seq.s32 s7, s2  }
0x1e: {  	s7 =	smul.u32 @!p0 $0xF7A, s2;
	p2 =	seq.s32 @!p0 s5, $0x0  }
0x1f: {  	s9 =	smul.u32 $0xF7A, s1;
	s8 =	simm.s32 @!p0 $0x1BF5;
	p2 =	por !p2, p0  }
0x20: {  	[sflag:s8] =	ssyncset.s32 @!p0 $0xFFFFF086;
	s6 =	sadd.s32 @!p0 s3, s7;
	s7 =	simm.s32 @!p0 $0x108  }
0x21: {  	s3 =	sadd.s32 s3, s9;
	s6 =	sadd.s32 @!p0 $0x88, s6;
	s7 =	simm.s32 @p2 $0x1082  }
0x22: {  	[simem:s7], [sflag:s8] =	dma.local @!p0 [hbm:s6], $0xF7A  }
0x23: {  	s9 =	sor.u32 $0xD0000000, s2;
	s6 =	simm.s32 $0x108;
	_ =	swait.ge @!p0 [sflag:s8], $0x0  }
0x24: {  	s3 =	sadd.s32 $0x88, s3;
	s6 =	simm.s32 @!p1 $0x1082;
	[sflag:s4] =	ssyncset.s32 $0xFFFFF086  }
0x25: {  	[simem:s6], [sflag:s4] =	dma.local [hbm:s3], $0xF7A  }
0x26: {  	[smem:$0x3F9B] =	sst s1;
	(tag) =	ssettag s2;
	_ =	strace s9  }
0x27: {  	s1 =	sld [smem:$0x3FAB]  }
0x28: {  	s2 =	sld [smem:$0x3FAC]  }
0x29: {  	s4 =	sld [smem:$0x3FAE]  }
0x2a: {  	p0 =	seq.s32 s5, $0x0;
	s5 =	sld [smem:$0x3FAF]  }
0x2b: {  	s6 =	sld [smem:$0x3FB0]  }
0x2c: {  	s7 =	sld [smem:$0x3FB1]  }
0x2d: {  	s3 =	simm.s32 $0x108;
	s8 =	sld [smem:$0x3FB2]  }
0x2e: {  	s3 =	simm.s32 @!p0 $0x1082;
	s9 =	sld [smem:$0x3FB3]  }
0x2f: {  	lr =	sadd.s32 s0, s3;
	s0 =	sld [smem:$0x3FAA]  }
0x30: {  	s3 =	sld [smem:$0x3FAD]  }
0x31: {  	[smem:$0x3FB6] =	sst s10  }
0x32: {  	s10 =	sld [smem:$0x3FB4];
	_ =	sdelay $0x3  }
0x33: {  	p0 =	seq.s32 s10, $0x1;
	s10 =	sld [smem:$0x3FB6];
	_ =	sdelay $0x3  }
0x34: {  	[smem:$0x3FB6] =	sst s10  }
0x35: {  	s10 =	sld [smem:$0x3FB5];
	_ =	sdelay $0x3  }
0x36: {  	p1 =	seq.s32 s10, $0x1;
	s10 =	sld [smem:$0x3FB6];
	_ =	sdelay $0x3  }
0x37: {  	[smem:$0x3FB6] =	sst s10  }
0x38: {  	s10 =	sld [smem:$0x3FB7]  }
0x39: {  	_ = 	snop;
	(pc) =	sbr.ind lr, $3  }
0x3a: {  	_ = 	snop  }
0x3b: {  	_ = 	snop  }
0x3c: {  	p2 =	seq.s32 s10, $0x1;
	s10 =	sld [smem:$0x3FB6]  }
0x3d: {  	_ =	shalt  }
0x3e: {  	_ =	shalt  }
0x3f: {  	_ =	shalt  }
0x40: {  	_ =	shalt  }
0x41: {  	_ =	shalt  }
0x42: {  	_ =	shalt  }
0x43: {  	_ =	shalt  }
0x44: {  	_ =	shalt  }
0x45: {  	_ =	shalt  }
0x46: {  	_ =	shalt  }
0x47: {  	_ =	shalt  }
0x48: {  	_ =	shalt  }
0x49: {  	_ =	shalt  }
0x4a: {  	_ =	shalt  }
0x4b: {  	_ =	shalt  }
0x4c: {  	_ =	shalt  }
0x4d: {  	_ =	shalt  }
0x4e: {  	_ =	shalt  }
0x4f: {  	_ =	shalt  }
0x50: {  	_ =	shalt  }
0x51: {  	_ =	shalt  }
0x52: {  	_ =	shalt  }
0x53: {  	_ =	shalt  }
0x54: {  	_ =	shalt  }
0x55: {  	_ =	shalt  }
0x56: {  	_ =	shalt  }
0x57: {  	_ =	shalt  }
0x58: {  	_ =	shalt  }
0x59: {  	_ =	shalt  }
0x5a: {  	_ =	shalt  }
0x5b: {  	_ =	shalt  }
0x5c: {  	_ =	shalt  }
0x5d: {  	_ =	shalt  }
0x5e: {  	_ =	shalt  }
0x5f: {  	_ =	shalt  }
0x60: {  	_ =	shalt  }
0x61: {  	_ =	shalt  }
0x62: {  	_ =	shalt  }
0x63: {  	_ =	shalt  }
0x64: {  	_ =	shalt  }
0x65: {  	_ =	shalt  }
0x66: {  	_ =	shalt  }
0x67: {  	_ =	shalt  }
0x68: {  	_ =	shalt  }
0x69: {  	_ =	shalt  }
0x6a: {  	_ =	shalt  }
0x6b: {  	_ =	shalt  }
0x6c: {  	_ =	shalt  }
0x6d: {  	_ =	shalt  }
0x6e: {  	_ =	shalt  }
0x6f: {  	_ =	shalt  }
0x70: {  	_ =	shalt  }
0x71: {  	_ =	shalt  }
0x72: {  	_ =	shalt  }
0x73: {  	_ =	shalt  }
0x74: {  	_ =	shalt  }
0x75: {  	_ =	shalt  }
0x76: {  	_ =	shalt  }
0x77: {  	_ =	shalt  }
0x78: {  	_ =	shalt  }
0x79: {  	_ =	shalt  }
0x7a: {  	_ =	shalt  }
0x7b: {  	_ =	shalt  }
0x7c: {  	_ =	shalt  }
0x7d: {  	_ =	shalt  }
0x7e: {  	_ =	shalt  }
0x7f: {  	_ =	shalt  }
0x80: {  	_ =	shalt  }
0x81: {  	_ =	shalt  }
0x82: {  	_ =	shalt  }
0x83: {  	_ =	shalt  }
0x84: {  	_ =	shalt  }
0x85: {  	_ =	shalt  }
0x86: {  	_ =	shalt  }
0x87: {  	_ =	shalt  }
.Lfunc_end0:
.L_simem_size_0:
called_computation_lowered:
.L_overlay_start_0:
0x88: {  	s2 =	sld [smem:$0x3FD9]  }
0x89: {  	s3 =	sld [smem:$0x3FFE];
	_ =	sdelay $0x1  }
0x8a: {  	s1 =	srdreg.scid  }
0x8b: {  	s0 =	sand.u32 $0x1, s1  }
0x8c: {  	s14 =	sshll.u32 s0, $0xA;
	s2 =	sadd.s32 s3, s2  }
0x8d: {  	s2 =	sadd.s32 s2, s14  }
0x8e: {  	[smem:$0x3FC2] =	sst s2  }
0x8f: {  	_ = 	snop  }
0x90: {  	s2 =	sld [smem:$0x3FD0];
	_ =	sdelay $0x2  }
0x91: {  	s4 =	simm.s32 $0xA;
	s5 =	simm.s32 $0x10;
	s15 =	sld [smem:$0x3FC9]  }
0x92: {  	[smem:s5], [sflag:s4] =	dma.local [hbm:s2], $0x1  }
0x93: {  	_ =	swait.eq [sflag:s4], $0x1  }
0x94: {  	[sflag:s4] =	ssyncset.done $0x0  }
0x95: {  	[sflag:s4] =	ssyncadd.s32 $0xFFFFFFFF  }
0x96: {  	s16 =	sld [smem:$0x10];
	(tm) =	ssettm $0x1  }
0x97: {  	s17 =	sld [smem:$0x3FFB];
	_ =	sdelay $0x3  }
0x98: {  	_ =	strace s17  }
0x99: {  	s4 =	sld [smem:$0x3FFC];
	_ =	sdelay $0x3  }
0x9a: {  	_ =	strace s4  }
0x9b: {  	s4 =	sld [smem:$0x3FFD];
	_ =	sdelay $0x3  }
0x9c: {  	_ =	strace s4  }
0x9d: {  	_ =	strace $0x8FFFFFFF  }
0x9e: {  	s18 =	sld [smem:$0x3FDB];
	_ =	sdelay $0x1  }
0x9f: {  	s19 =	simm.s32 $_scs_section_size  }
0xa0: {  	s6 =	simm.s32 $_size__tile_overlayer_lowered;
	s7 =	simm.s32 $_tile_overlayer_lowered  }
0xa1: {  	s22 =	simm.s32 $0x1BFF;
	s21 =	sshll.u32 s7, $0x1;
	s4 =	sadd.s32 s19, s18  }
0xa2: {  	s8 =	simm.s32 $0x0;
	s20 =	sshll.u32 s6, $0x1;
	s6 =	sadd.s32 s21, s4  }
0xa3: {  	[timem:s8], [sflag:s22] =	dma.local [hbm:s6], s20  }
0xa4: {  	_ =	swait.ge [sflag:s22], s20  }
0xa5: {  	s5 =	ssub.s32 $0x0, s20;
	[sflag:s22] =	ssyncset.done $0x0  }
0xa6: {  	[sflag:s22] =	ssyncadd.s32 s5;
	_ =	sdelay $0x1  }
0xa7: {  	s23 =	simm.s32 $0x1B8B  }
0xa8: {  	_ =	swait.ge [sflag:s23], $0x1  }
0xa9: {  	[sflag:s23] =	ssyncset.done $0x0  }
0xaa: {  	s25 =	simm.s32 $0x1B8E;
	s24 =	sld [smem:$0x3FFE];
	[sflag:s23] =	ssyncadd.s32 $0xFFFFFFFF  }
0xab: {  	s26 =	simm.s32 $execute0_lowered;
	[smem:$0x3FD2] =	sst s25  }
0xac: {  	s6 =	sshll.u32 s26, $0x1;
	_ =	strace $0x80000046;
	[dreg:$0x1] =	wrdreg $0xFFFFFFFF  }
0xad: {  	s28 =	simm.s32 $_size_execute0_lowered;
	s4 =	sadd.s32 s4, s6;
	[dreg:$0x0] =	wrdreg $0x0  }
0xae: {  	s6 =	sshll.u32 s28, $0x1;
	[dreg:$0x2] =	wrdreg s4  }
0xaf: {  	[dreg:$0x3] =	wrdreg s6  }
0xb0: {  	[dreg:$0x4] =	wrdreg $0xC0  }
0xb1: {  	_ =	task [dreg:s8], $0x5FFFF  }
0xb2: {  	[dreg:$0x1] =	wrdreg $0xFFFFFFFF  }
0xb3: {  	[dreg:$0x0] =	wrdreg $0x60  }
0xb4: {  	[dreg:$0x2] =	wrdreg s15  }
0xb5: {  	[dreg:$0x3] =	wrdreg s24  }
0xb6: {  	[dreg:$0x4] =	wrdreg s16  }
0xb7: {  	[dreg:$0x5] =	wrdreg $0x51000  }
0xb8: {  	[dreg:$0x6] =	wrdreg $0x9  }
0xb9: {  	_ =	task.clear_ibuf [dreg:s8], $0x7FFFF;
	_ =	strace $0x90000046  }
0xba: {  	s29 =	simm.s32 $0x9;
	_ =	strace $0x80000048  }
0xbb: {  	_ =	swait.ge [sflag:s29], $0x1  }
0xbc: {  	[sflag:s29] =	ssyncadd.s32 $0xFFFFFFFF  }
0xbd: {  	_ =	strace $0x90000048  }
0xbe: {  	_ =	sfence  }
0xbf: {  	s30 =	sld [smem:$0x0];
	_ =	sdelay $0x2  }
0xc0: {  	s31 =	sshll.u32 s1, $0xD;
	s1 =	sshrl.u32 s1, $0x2  }
0xc1: {  	s3 =	sand.u32 $0x4000, s31;
	s1 =	sadd.s32 s1, s30  }
0xc2: {  	s0 =	sor.u32 s3, s0;
	s1 =	sshll.u32 s1, $0x11  }
0xc3: {  	s0 =	sor.u32 s1, s0  }
0xc4: {  	s0 =	sadd.s32 $0x8F2B, s0  }
0xc5: {  	[sflag:s0] =	ssyncadd.remote.s32 $0x1  }
0xc6: {  	_ =	sfence.sel $0xFFFF  }
0xc7: {  	[dreg:$0x0] =	wrdreg $0xFFFFFFFF;
	(pc) =	sbr.abs _section_cstart, $3  }
0xc8: {  	[dreg:$0x1] =	wrdreg $0xFFFFFFFF  }
0xc9: {  	_ =	task.clear_ibuf [dreg:s8], $0x2FFFF;
	_ =	strace $0x9FFFFFFF  }
0xca: {  	(tm) =	ssettm $0x7FFFFFFF  }
0xcb: {  	_ =	shalt  }
tec
execute0_lowered:
.L_overlay_start_1:
0x0: {  	(tag) =	ssettag $0x1  }
0x1: {  	s1 =	rddreg [dreg:$0x0]  }
0x2: {  	s7 =	rddreg [dreg:$0x1]  }
0x3: {  	s10 =	rddreg [dreg:$0x2]  }
0x4: {  	s0 =	srdreg.scid;
	s3 =	rddreg [dreg:$0x3]  }
0x5: {  	s2 =	rddreg [dreg:$0x4];
	s4 =	simm.s32 $0x0;
	s15 =	simm.s32 $0x80  }
0x6: {  	s16 =	simm.s32 $0x50;
	s17 =	simm.s32 $0x100;
	s18 =	simm.s32 $0x1  }
0x7: {  	s24 =	simm.s32 $0x0;
	s8 =	sand.u32 $0x1, s0;
	s0 =	stileid.u32  }
0x8: {  	[smem:$0x7FF] =	sst s4;
	s6 =	sadd.s32 $0x15600, s7;
	s9 =	smul.u32 $0x27100, s8  }
0x9: {  	s20 =	sadd.s32 $0x12C000, s3;
	s5 =	smul.u32 $0x2710, s0;
	_ =	strace $0x80000047  }
0xa: {  	s12 =	sshll.u32 s8, $0x4;
	s28 =	smul.u32 $0x50000, s0;
	s8 =	ssub.s32 $0x2, s8  }
0xb: {  	s13 =	sshll.u32 s0, $0x7;
	s23 =	smul.u32 $0x2800, s0;
	s31 =	sshll.u32 s0, $0x6  }
0xc: {  	p0 =	seq.s32 s0, $0xF;
	s12 =	sor.u32 s0, s12;
	s14 =	sshrl.u32 s8, $0x1  }
0xd: {  	s13 =	sand.u32 $0x380, s13;
	s20 =	sshrl.u32 @p0 s20, $0x3;
	s5 =	sadd.s32 s5, s9  }
0xe: {  	s12 =	sshrl.u32 s12, $0x3;
	s8 =	ssub.s32 s8, s14;
	s5 =	sshrl.u32 s5, $0x3  }
0xf: {  	s12 =	smul.u32 $0x14000, s12;
	s8 =	smax.u32 s8, $0x1;
	s11 =	sadd.s32 s5, s7  }
0x10: {  	s5 =	sadd.s32 $0x15C00, s7;
	s7 =	sadd.s32 s9, s7;
	s9 =	sshrl.u32 s28, $0x2  }
0x11: {  	s22 =	sadd.s32 s9, s3;
	s29 =	sor.u32 s13, s12;
	s21 =	sadd.s32 $0x18400, s7  }
0x12: {  	s9 =	sadd.s32 $0x1A00, s11;
	s12 =	simm.s32 $0x2;
	s13 =	sor.u32 $0x1C02, s31  }
0x13: {  	s30 =	sshrl.u32 s29, $0x3;
	s14 =	sshrl.u32 s22, $0x3;
	s19 =	sadd.s32 @p0 $0x25800, s21  }
0x14: {  	s21 =	sadd.s32 @!p0 s23, s21;
	s22 =	sshrl.u32 @!p0 s22, $0x3;
	s23 =	simm.s32 $0x400  }
0x15: {  	v0 =	vimm.f32 $1.000000000e+00;
	s7 =	sadd.s32 s10, s30;
	s10 =	sadd.s32 $0xB800, s11;
	s11 =	simm.s32 $0x2900  }
.LBB2_1:
0x16: {  	[tilespmem:s11], [sflag:$0x2] =	stream.linear.gather [hbm4b:s6+s4], $0x2800, $0x38;
	[tilespmem:$0x19100] =	vst v63  }
0x17: {  	_ =	swait.ge [sflag:s12], $0x2800  }
0x18: {  	[sflag:s12] =	ssyncset.done $0x0  }
0x19: {  	[sflag:s12] =	ssyncadd.s32 $0xFFFFD800  }
0x1a: {  	[spmem:s14], [sflag:s13] =	dma.local [hbm:s5], $0x2800  }
0x1b: {  	_ =	swait.ge [sflag:s12], $0x2800  }
0x1c: {  	[sflag:s12] =	ssyncset.done $0x0  }
0x1d: {  	[sflag:s12] =	ssyncadd.s32 $0xFFFFD800  }
0x1e: {  	s25 =	simm.s32 $0x0;
	[bflag:$0x0] =	sbarrier.arrive $0xFFFF  }
.LBB2_2:
0x1f: {  	s26 =	sadd.s32 s25, s10  }
0x20: {  	[tilespmem:s4], [sflag:$0x2] =	stream.linear.gather [hbm4b:s26+s4], $0x50, $0x38;
	[tilespmem:$0x19100] =	vst v63  }
0x21: {  	_ =	swait.ge [sflag:s12], $0x50  }
0x22: {  	[sflag:s12] =	ssyncset.done $0x0  }
0x23: {  	s31 =	sadd.s32 s25, s9;
	[sflag:s12] =	ssyncadd.s32 $0xFFFFFFB0  }
0x24: {  	[tilespmem:s15], [sflag:$0x2] =	stream.linear.gather [hbm4b:s31+s4], $0x50, $0x38;
	[tilespmem:$0x19100] =	vst v63  }
0x25: {  	_ =	swait.ge [sflag:s12], $0x50  }
0x26: {  	[sflag:s12] =	ssyncset.done $0x0  }
0x27: {  	[sflag:s12] =	ssyncadd.s32 $0xFFFFFFB0  }
0x28: {  	[tilespmem:s17], [sflag:$0x1] =	stream.indirect.gather [hbm4b:s1+s16], $0x80, s4, s16, $0xb8;
	[tilespmem:$0x19100] =	vst v63  }
0x29: {  	_ =	swait.ge [sflag:s18], $0x2800  }
0x2a: {  	[sflag:s18] =	ssyncset.done $0x0  }
0x2b: {  	[sflag:s18] =	ssyncadd.s32 $0xFFFFD800  }
0x2c: {  	[spmem:s3] =	stream.indirect.scatter.add.f32 [tilespmem:s17], [sflag:$0x2], $0x80, s15, s16, $0xb8;
	[tilespmem:$0x19100] =	vst v63  }
0x2d: {  	_ =	swait.ge [sflag:s12], $0x2800  }
0x2e: {  	[sflag:s12] =	ssyncset.done $0x0  }
0x2f: {  	[sflag:s12] =	ssyncadd.s32 $0xFFFFD800  }
0x30: {  	v1 =	vld [tilespmem:$0x80];
	_ =	sdelay $0x7  }
0x31: {  	[tilespmem:v1+s11+$0x0] =	vst.idx.add.f32.msk $0xffff, v0  }
0x32: {  	v1 =	vld [tilespmem:$0x90];
	_ =	sdelay $0x7  }
0x33: {  	[tilespmem:v1+s11+$0x0] =	vst.idx.add.f32.msk $0xffff, v0  }
0x34: {  	v1 =	vld [tilespmem:$0xA0];
	_ =	sdelay $0x7  }
0x35: {  	[tilespmem:v1+s11+$0x0] =	vst.idx.add.f32.msk $0xffff, v0  }
0x36: {  	v1 =	vld [tilespmem:$0xB0];
	_ =	sdelay $0x7  }
0x37: {  	[tilespmem:v1+s11+$0x0] =	vst.idx.add.f32.msk $0xffff, v0  }
0x38: {  	v1 =	vld [tilespmem:$0xC0];
	_ =	sdelay $0x2  }
0x39: {  	p1 =	sne.s32 s25, $0x4D8  }
.Ltmp0:
0x3a: {  	_ = 	snop;
	(pc) =	sbr.rel @p1 .LBB2_2-.Ltmp0, $2  }
0x3b: {  	_ =	sdelay $0x2  }
0x3c: {  	s25 =	sadd.s32 $0xA, s25;
	[tilespmem:v1+s11+$0x0] =	vst.idx.add.f32.msk $0xffff, v0  }
0x3d: {  	[bflag:$0x0] =	sbarrier.arrive $0xFFFF;
	s25 =	simm.s32 @p0 $0x2  }
0x3e: {  	[hbm:s19], [sflag:s13] =	dma.local @p0 [spmem:s20], $0x1900  }
0x3f: {  	_ =	swait.ge @p0 [sflag:s25], $0x1900  }
0x40: {  	[sflag:s25] =	ssyncset.done @p0 $0x0  }
0x41: {  	[sflag:s25] =	ssyncadd.s32 @p0 $0xFFFFE700;
	s25 =	simm.s32 @!p0 $0x2  }
0x42: {  	[hbm:s21], [sflag:s13] =	dma.local @!p0 [spmem:s22], $0x2800  }
0x43: {  	s24 =	sadd.s32 $0x1, s24;
	_ =	swait.ge @!p0 [sflag:s25], $0x2800  }
0x44: {  	p1 =	sne.s32 s24, s8;
	[sflag:s25] =	ssyncset.done @!p0 $0x0  }
.Ltmp1:
0x45: {  	[sflag:s25] =	ssyncadd.s32 @!p0 $0xFFFFD800;
	(pc) =	sbr.rel @p1 .LBB2_1-.Ltmp1, $4  }
0x46: {  	[hbm4b:s7+s15] =	stream.strided.scatter [tilespmem:s11], [sflag:$0x2], $0x2800, s23, s15, $0x38;
	[tilespmem:$0x19100] =	vst v63  }
0x47: {  	_ =	swait.ge [sflag:s12], $0x2800  }
0x48: {  	[sflag:s12] =	ssyncset.done $0x0  }
0x49: {  	[sflag:s12] =	ssyncadd.s32 $0xFFFFD800  }
0x4a: {  	_ =	sfence.sel $0x180000  }
0x4b: {  	[bflag:$0x0] =	sbarrier.arrive $0xFFFF  }
0x4c: {  	p0 =	sne.s32 s0, $0x0;
	_ =	strace $0x90000047  }
0x4d: {  	s0 =	sadd.s32 @!p0 $0x100000, s2;
	[bflag:$0x2] =	sbarrier.arrive $0xFFFF  }
0x4e: {  	[sflag:s0] =	ssyncadd.tile.s32 @!p0 $0x1;
	_ =	shalt  }
.Lfunc_end2:
_tile_overlayer_lowered:
.L_overlay_start_2:
0x4f: {  	(tag) =	ssettag $0x2  }
0x50: {  	s0 =	rddreg [dreg:$0x0];
	s2 =	stileid.u32  }
0x51: {  	s1 =	rddreg [dreg:$0x1];
	p0 =	sne.s32 s2, $0x0  }
0x52: {  	s3 =	rddreg [dreg:$0x2];
	[bflag:$0x3] =	sbarrier.arrive $0xFFFF;
	s2 =	simm.s32 @!p0 $0x1C02  }
0x53: {  	[timem:s3], [sflag:s2] =	dma.local @!p0 [hbm:s0], s1  }
0x54: {  	s0 =	simm.s32 @!p0 $0x2  }
0x55: {  	_ =	swait.ge @!p0 [sflag:s0], s1  }
0x56: {  	s1 =	ssub.s32 @!p0 $0x0, s1;
	[sflag:s0] =	ssyncset.done @!p0 $0x0  }
0x57: {  	[sflag:s0] =	ssyncadd.s32 @!p0 s1  }
0x58: {  	[bflag:$0x3] =	sbarrier.arrive $0xFFFF  }
0x59: {  	_ =	shalt  }

</sc_bundles>
